<compile_context>
chip_gen: v7x
topology: tpu7x:2x2x1
jax: 0.10.2.dev20260603
libtpu: 0.0.44.dev20260713+nightly
codegen_flags: <defaults>
</compile_context>

<pallas_src>
import functools

import jax
import jax.numpy as jnp
from jax import lax
from jax.experimental import pallas as pl
from jax.experimental.pallas import tpu as pltpu
from jax.experimental.pallas import tpu_sc as plsc

N = 10000
E_RAW = 320000
E = E_RAW + N
D = 128
H1, C1 = 8, 8
F1 = H1 * C1
C2 = 16
G = 64

NW = 32
BLK = 128
ZB = 128
EP = 331776
PT = EP // NW
NP = 10016
AR = 10240
RPT = AR // 16

_P = jax.lax.Precision.HIGHEST

_GDN = lax.GatherDimensionNumbers(
    offset_dims=(), collapsed_slice_dims=(0,), start_index_map=(0,))


def _vperm(v, idx):
    return lax.gather(v, idx[:, None], _GDN, slice_sizes=(1,),
                      mode=lax.GatherScatterMode.PROMISE_IN_BOUNDS)


@functools.lru_cache(maxsize=1)
def _sc_mesh():
    return plsc.VectorSubcoreMesh(core_axis_name="c", subcore_axis_name="s")


def _f32(*shape):
    return jax.ShapeDtypeStruct(shape, jnp.float32)



def _proj_body(x_ref, w1_ref, w2_ref, t1_ref, t2_ref):
    x = x_ref[...]
    t1_ref[...] = jnp.dot(x, w1_ref[...], precision=_P)
    t2_ref[...] = jnp.dot(x, w2_ref[...], precision=_P)


def _proj(x, w1, w2):
    n, f = x.shape[0], w1.shape[1]
    return pl.pallas_call(
        _proj_body,
        out_shape=[_f32(n, f), _f32(n, f)],
    )(x, w1, w2)


def _norm1_body(acc_ref, rep_ref, b1_ref, wl2_ref, wr2_ref, t1_ref, t2_ref):
    s = acc_ref[0] + acc_ref[1]
    num = s[:, :F1]
    den = s[:, F1:F1 + H1]
    den_f = jnp.dot(den, rep_ref[...], precision=_P)
    h = num / (den_f + 1e-16) + b1_ref[...]
    h = jnp.where(h > 0, h, jnp.exp(jnp.minimum(h, 0.0)) - 1.0)
    mask = (lax.broadcasted_iota(jnp.int32, (AR, 1), 0) < N).astype(jnp.float32)
    h = h * mask
    t1_ref[...] = jnp.dot(h, wl2_ref[...], precision=_P)
    t2_ref[...] = jnp.dot(h, wr2_ref[...], precision=_P)


def _norm1(acc, rep, b1, wl2, wr2):
    return pl.pallas_call(
        _norm1_body,
        out_shape=[_f32(AR, C2), _f32(AR, C2)],
    )(acc, rep, b1.reshape(1, F1), wl2, wr2)


def _final_body(acc_ref, b2_ref, batch_ref, wc_ref, bc_ref,
                pooled_ref, out_ref):
    s = acc_ref[0] + acc_ref[1]
    num = s[:, :C2]
    den = s[:, C2:C2 + 1]
    h2 = num / (den + 1e-16) + b2_ref[...]
    h2 = h2[:N, :]
    gids = lax.broadcasted_iota(jnp.int32, (N, G), 1)
    onehot = (batch_ref[...] == gids).astype(jnp.float32)
    sums = lax.dot_general(onehot, h2, (((0,), (0,)), ((), ())),
                           precision=_P)
    counts = jnp.sum(onehot, axis=0)[:, None]
    pooled = sums / jnp.maximum(counts, 1.0)
    pooled_ref[...] = pooled
    out_ref[...] = jnp.dot(pooled, wc_ref[...], precision=_P) + bc_ref[...]


def _final(acc, b2, batch, wc, bc):
    return pl.pallas_call(
        _final_body,
        out_shape=[_f32(G, C2), _f32(G, 1)],
    )(acc, b2.reshape(1, C2), batch.reshape(N, 1), wc, bc.reshape(1, 1))



def _sc_wid():
    return lax.axis_index("s") * 2 + lax.axis_index("c")


def _edge_body(nv, grp, t1_hbm, t2_hbm, src_hbm, dst_hbm, att_hbm, z_hbm,
               oacc_hbm, idxs_v, idxd_v, bufa_v, bufb_v, pay_v, att_v,
               acc_s, sema, semb):
    cid = lax.axis_index("c")
    sid = lax.axis_index("s")
    base = _sc_wid() * PT
    r0 = sid * RPT

    iota = lax.iota(jnp.int32, 16)
    selp = (iota & 1) * 8
    zeros16 = jnp.zeros((16,), jnp.float32)
    lane0 = (iota == 0).astype(jnp.float32)
    pair_masks = [((iota >> 1) == j).astype(jnp.float32) for j in range(nv)]

    pltpu.sync_copy(att_hbm, att_v)
    attv = [att_v[pl.ds(16 * j, 16)] for j in range(nv)]

    @pl.loop(0, RPT, step=ZB)
    def _(j):
        pltpu.sync_copy(z_hbm, acc_s.at[pl.ds(r0 + j, ZB)])

    plsc.subcore_barrier()

    @pl.loop(0, PT, step=BLK)
    def _(off):
        b = base + off
        pltpu.sync_copy(src_hbm.at[pl.ds(b, BLK)], idxs_v)
        pltpu.sync_copy(dst_hbm.at[pl.ds(b, BLK)], idxd_v)
        cpa = pltpu.async_copy(t1_hbm.at[idxs_v], bufa_v, sema)
        cpb = pltpu.async_copy(t2_hbm.at[idxd_v], bufb_v, semb)
        cpa.wait()
        cpb.wait()

        @pl.loop(0, BLK)
        def _(r):
            ees = []
            for j in range(nv):
                a = bufa_v[r, pl.ds(16 * j, 16)]
                bb = bufb_v[r, pl.ds(16 * j, 16)]
                s = a + bb
                m = jnp.maximum(s, 0.2 * s)
                p = m * attv[j]
                k = 1
                while k < grp:
                    p = p + _vperm(p, iota ^ k)
                    k *= 2
                ee = jnp.exp(p)
                pay_v[r, pl.ds(16 * j, 16)] = a * ee
                ees.append(ee)
            if grp == 8:
                den = zeros16
                for j in range(nv):
                    den = den + _vperm(ees[j], selp) * pair_masks[j]
            else:
                den = ees[0] * lane0
            pay_v[r, pl.ds(16 * nv, 16)] = den

        pltpu.sync_copy(pay_v, acc_s.at[idxd_v], add=True)

    plsc.subcore_barrier()
    pltpu.sync_copy(acc_s.at[pl.ds(r0, RPT)], oacc_hbm.at[cid, pl.ds(r0, RPT)])


def _sc_edge(t1, t2, src, dst, att_row, z, nv, grp):
    fw = 16 * nv
    pw = fw + 16
    k = pl.kernel(
        functools.partial(_edge_body, nv, grp),
        out_type=[_f32(2, AR, pw)],
        mesh=_sc_mesh(),
        compiler_params=pltpu.CompilerParams(
            needs_layout_passes=False, use_tc_tiling_on_sc=False),
        scratch_types=[
            pltpu.VMEM((BLK,), jnp.int32),
            pltpu.VMEM((BLK,), jnp.int32),
            pltpu.VMEM((BLK, fw), jnp.float32),
            pltpu.VMEM((BLK, fw), jnp.float32),
            pltpu.VMEM((BLK, pw), jnp.float32),
            pltpu.VMEM((fw,), jnp.float32),
            pltpu.VMEM_SHARED((AR, pw), jnp.float32),
            pltpu.SemaphoreType.DMA,
            pltpu.SemaphoreType.DMA,
        ],
    )
    return k(t1, t2, src, dst, att_row, z)[0]



def kernel(x, edge_index, batch, W_l1, W_r1, att1, b1, W_l2, W_r2, att2, b2,
           Wc, bc):
    loops = jnp.arange(N, dtype=edge_index.dtype)
    pad = jnp.full((EP - E,), N, dtype=edge_index.dtype)
    src = jnp.concatenate([edge_index[0], loops, pad])
    dst = jnp.concatenate([edge_index[1], loops, pad])

    xpad = jnp.zeros((NP, D), jnp.float32).at[:N].set(x)

    att1_row = att1.reshape(F1)
    att2_row = att2.reshape(C2)

    heads = jnp.arange(H1)
    rep1 = (jnp.arange(F1)[None, :] // C1 ==
            heads[:, None]).astype(jnp.float32)

    z80 = jnp.zeros((ZB, F1 + 16), jnp.float32)
    z32 = jnp.zeros((ZB, C2 + 16), jnp.float32)

    t1, t2 = _proj(xpad, W_l1, W_r1)
    acc1 = _sc_edge(t1, t2, src, dst, att1_row, z80, 4, 8)
    t12, t22 = _norm1(acc1, rep1, b1, W_l2, W_r2)

    acc2 = _sc_edge(t12, t22, src, dst, att2_row, z32, 1, 16)

    pooled, out = _final(acc2, b2, batch, Wc, bc)
    return (out.reshape(-1), pooled)

# --- scband reference (transcript-rebuilt; emitter-appended) ---
"""Pipeline reference for scband-gatclassifier-25881472926447 (READ-ONLY COPY).

The authoritative reference and input builder live on the scoring server;
editing this copy changes nothing except your own understanding.
"""

import jax, jax.numpy as jnp
import numpy as np

N_NODES = 10000
N_EDGES = 320000
D_FEAT = 128
N_GRAPHS = 64
HID = 8
IN_HEAD = 8
OUT_HEAD = 1
OUT2 = 16


def setup_inputs(seed: int = 0) -> dict:
    key = jax.random.key(seed)
    ks = jax.random.split(key, 16)
    x = jax.random.normal(ks[0], (N_NODES, D_FEAT), dtype=jnp.float32)
    edge_index = jax.random.randint(ks[1], (2, N_EDGES), 0, N_NODES, dtype=jnp.int32)
    batch = jnp.sort(jax.random.randint(ks[2], (N_NODES,), 0, N_GRAPHS, dtype=jnp.int32))
    # GATv2Conv layer 1: in=128, heads=8, out_per_head=8, concat=True
    W_l1 = jax.random.normal(ks[3], (D_FEAT, HID * IN_HEAD), dtype=jnp.float32) * (1.0 / np.sqrt(D_FEAT))
    W_r1 = jax.random.normal(ks[4], (D_FEAT, HID * IN_HEAD), dtype=jnp.float32) * (1.0 / np.sqrt(D_FEAT))
    att1 = jax.random.normal(ks[5], (IN_HEAD, HID), dtype=jnp.float32) * (1.0 / np.sqrt(HID))
    b1 = jnp.zeros((HID * IN_HEAD,), dtype=jnp.float32)
    # GATv2Conv layer 2: in=64, heads=1, out=16, concat=False
    W_l2 = jax.random.normal(ks[6], (HID * IN_HEAD, OUT2 * OUT_HEAD), dtype=jnp.float32) * (1.0 / np.sqrt(HID * IN_HEAD))
    W_r2 = jax.random.normal(ks[7], (HID * IN_HEAD, OUT2 * OUT_HEAD), dtype=jnp.float32) * (1.0 / np.sqrt(HID * IN_HEAD))
    att2 = jax.random.normal(ks[8], (OUT_HEAD, OUT2), dtype=jnp.float32) * (1.0 / np.sqrt(OUT2))
    b2 = jnp.zeros((OUT2,), dtype=jnp.float32)
    # classifier Linear(16, 1)
    Wc = jax.random.normal(ks[9], (OUT2, 1), dtype=jnp.float32) * (1.0 / np.sqrt(OUT2))
    bc = jnp.zeros((1,), dtype=jnp.float32)
    return {"x": x, "edge_index": edge_index, "batch": batch,
            "W_l1": W_l1, "W_r1": W_r1, "att1": att1, "b1": b1,
            "W_l2": W_l2, "W_r2": W_r2, "att2": att2, "b2": b2,
            "Wc": Wc, "bc": bc}


def _add_self_loops(edge_index, n_nodes):
    loops = jnp.arange(n_nodes, dtype=edge_index.dtype)
    loops = jnp.stack([loops, loops], axis=0)
    return jnp.concatenate([edge_index, loops], axis=1)


def _gatv2_conv(x, edge_index, W_l, W_r, att, bias, heads, out_ch, concat):
    n = x.shape[0]
    src = edge_index[0]
    dst = edge_index[1]
    x_l = (x @ W_l).reshape(n, heads, out_ch)
    x_r = (x @ W_r).reshape(n, heads, out_ch)
    m = x_l[src] + x_r[dst]                       # [E, H, C] gather-heavy
    m = jax.nn.leaky_relu(m, negative_slope=0.2)
    e = (m * att[None, :, :]).sum(-1)             # [E, H]
    # softmax over incoming edges of each dst node
    e_max = jax.ops.segment_max(e, dst, num_segments=n)
    e_exp = jnp.exp(e - e_max[dst])
    denom = jax.ops.segment_sum(e_exp, dst, num_segments=n)
    alpha = e_exp / (denom[dst] + 1e-16)
    out = jax.ops.segment_sum(x_l[src] * alpha[..., None], dst, num_segments=n)  # [N, H, C]
    if concat:
        out = out.reshape(n, heads * out_ch)
    else:
        out = out.mean(axis=1)
    return out + bias


def _global_mean_pool(x, batch, num_graphs):
    sums = jax.ops.segment_sum(x, batch, num_segments=num_graphs)
    counts = jax.ops.segment_sum(jnp.ones((x.shape[0],), dtype=x.dtype), batch, num_segments=num_graphs)
    return sums / jnp.clip(counts, 1.0)[:, None]


def reference(x, edge_index, batch, W_l1, W_r1, att1, b1, W_l2, W_r2, att2, b2, Wc, bc):
    # dropout layers are identity in inference mode (deterministic reference)
    ei = _add_self_loops(edge_index, x.shape[0])
    h = _gatv2_conv(x, ei, W_l1, W_r1, att1, b1, heads=IN_HEAD, out_ch=HID, concat=True)
    h = jax.nn.elu(h)
    h = _gatv2_conv(h, ei, W_l2, W_r2, att2, b2, heads=OUT_HEAD, out_ch=OUT2, concat=False)
    pooled = _global_mean_pool(h, batch, N_GRAPHS)
    out = pooled @ Wc + bc
    out = out.reshape(-1)
    return (out, pooled)

if __name__ == "__main__":
    import jax
    _d = setup_inputs()
    print(jax.jit(kernel)(*tuple(_d.values())))

</pallas_src>

<mosaic_0001>
#map = affine_map<(d0, d1) -> (0, 0)>
#map1 = affine_map<(d0, d1) -> (0)>
#map2 = affine_map<(d0, d1) -> (0, 0, 0)>
module attributes {stable_mosaic.version = 14 : i64} {
  func.func @_edge_body(%arg0: i32, %arg1: i32, %arg2: memref<10240x16xf32, #tpu.memory_space<hbm>>, %arg3: memref<10240x16xf32, #tpu.memory_space<hbm>>, %arg4: memref<331776xi32, #tpu.memory_space<hbm>>, %arg5: memref<331776xi32, #tpu.memory_space<hbm>>, %arg6: memref<16xf32, #tpu.memory_space<hbm>>, %arg7: memref<128x32xf32, #tpu.memory_space<hbm>>, %arg8: memref<2x10240x32xf32, #tpu.memory_space<hbm>>, %arg9: memref<128xi32, #tpu.memory_space<vmem>>, %arg10: memref<128xi32, #tpu.memory_space<vmem>>, %arg11: memref<128x16xf32, #tpu.memory_space<vmem>>, %arg12: memref<128x16xf32, #tpu.memory_space<vmem>>, %arg13: memref<128x32xf32, #tpu.memory_space<vmem>>, %arg14: memref<16xf32, #tpu.memory_space<vmem>>, %arg15: memref<10240x32xf32, #tpu.memory_space<vmem_shared>>, %arg16: memref<!tpu.dma_semaphore, #tpu.memory_space<semaphore_mem>>, %arg17: memref<!tpu.dma_semaphore, #tpu.memory_space<semaphore_mem>>) attributes {dimension_semantics = [#tpu.dimension_semantics<core_parallel>, #tpu.dimension_semantics<subcore_parallel>], iteration_bounds = array<i64: 2, 16>, scalar_prefetch = 0 : i64, scratch_operands = 9 : i64, tpu.core_type = #tpu.core_type<sc_vector_subcore>, window_params = [{transform_indices = #map}, {transform_indices = #map}, {transform_indices = #map1}, {transform_indices = #map1}, {transform_indices = #map1}, {transform_indices = #map}, {transform_indices = #map2}]} {
    %mul3A = arith.constant 2 : i32
    %mul3A_0 = arith.muli %arg1, %mul3A : i32
    %add3A = arith.addi %mul3A_0, %arg0 : i32
    %mul3A_1 = arith.constant 10368 : i32
    %mul3A_2 = arith.muli %add3A, %mul3A_1 : i32
    %mul3A_3 = arith.constant 640 : i32
    %mul3A_4 = arith.muli %arg1, %mul3A_3 : i32
    %iota3A = tpu.iota {dimensions = array<i32: 0>} : vector<16xi32>
    %and3A = arith.constant 1 : i32
    %and3A_5 = vector.broadcast %and3A : i32 to vector<16xi32>
    %and3A_6 = arith.andi %iota3A, %and3A_5 : vector<16xi32>
    %mul3A_7 = arith.constant 8 : i32
    %mul3A_8 = vector.broadcast %mul3A_7 : i32 to vector<16xi32>
    %mul3A_9 = arith.muli %and3A_6, %mul3A_8 : vector<16xi32>
    %broadcast_in_dim3A = arith.constant 0.000000e+00 : f32
    %broadcast_in_dim3A_10 = vector.broadcast %broadcast_in_dim3A : f32 to vector<16xf32>
    %eq3A = arith.constant 0 : i32
    %eq3A_11 = vector.broadcast %eq3A : i32 to vector<16xi32>
    %eq3A_12 = arith.cmpi eq, %iota3A, %eq3A_11 : vector<16xi32>
    %convert_element_type3A = arith.extui %eq3A_12 : vector<16xi1> to vector<16xi32>
    %convert_element_type3A_13 = arith.sitofp %convert_element_type3A : vector<16xi32> to vector<16xf32>
    %shift_right_arithmetic3A = arith.constant 1 : i32
    %shift_right_arithmetic3A_14 = vector.broadcast %shift_right_arithmetic3A : i32 to vector<16xi32>
    %shift_right_arithmetic3A_15 = arith.shrsi %iota3A, %shift_right_arithmetic3A_14 : vector<16xi32>
    %eq3A_16 = arith.constant 0 : i32
    %eq3A_17 = vector.broadcast %eq3A_16 : i32 to vector<16xi32>
    %eq3A_18 = arith.cmpi eq, %shift_right_arithmetic3A_15, %eq3A_17 : vector<16xi32>
    %convert_element_type3A_19 = arith.extui %eq3A_18 : vector<16xi1> to vector<16xi32>
    %convert_element_type3A_20 = arith.sitofp %convert_element_type3A_19 : vector<16xi32> to vector<16xf32>
    "tpu.region"() ({
      %run_scoped3A = tpu.sem_alloc : memref<!tpu.dma_semaphore, #tpu.memory_space<semaphore_mem>>
      tpu.enqueue_dma source(%arg6 : memref<16xf32, #tpu.memory_space<hbm>>) target(%arg14 : memref<16xf32, #tpu.memory_space<vmem>>) target_semaphore(%run_scoped3A : memref<!tpu.dma_semaphore, #tpu.memory_space<semaphore_mem>>)
      tpu.wait_dma2 semaphore(%run_scoped3A : memref<!tpu.dma_semaphore, #tpu.memory_space<semaphore_mem>>) src(%arg6 : memref<16xf32, #tpu.memory_space<hbm>>) dst(%arg14 : memref<16xf32, #tpu.memory_space<vmem>>)
      tpu.yield
    }) : () -> ()
    %get3A = arith.constant 0 : index
    %get3A_21 = tpu.vector_load %arg14[%get3A] {strides = array<i32>} : memref<16xf32, #tpu.memory_space<vmem>>, vector<16xf32>,
    %scan3A = arith.constant 0 : i32
    %scan3A_22 = arith.constant 5 : i32
    %scan3A_23 = arith.addi %scan3A, %scan3A_22 : i32
    %scan3A_24 = arith.constant 1 : i32
    scf.for %scan3A_32 = %scan3A to %scan3A_23 step %scan3A_24  : i32 {
      %mul3A_33 = arith.constant 128 : i32
      %mul3A_34 = arith.muli %scan3A_32, %mul3A_33 : i32
      %add3A_35 = arith.constant 0 : i32
      %add3A_36 = arith.addi %add3A_35, %mul3A_34 : i32
      %add3A_37 = arith.addi %mul3A_4, %add3A_36 : i32
      "tpu.region"() ({
        %run_scoped3A = tpu.sem_alloc : memref<!tpu.dma_semaphore, #tpu.memory_space<semaphore_mem>>
        %dma_start3A = arith.constant 0 : i32
        %dma_start3A_38 = tpu.memref_slice %arg15[%add3A_37, %dma_start3A] : memref<10240x32xf32, #tpu.memory_space<vmem_shared>> -> memref<128x32xf32, #tpu.memory_space<vmem_shared>>
        tpu.enqueue_dma source(%arg7 : memref<128x32xf32, #tpu.memory_space<hbm>>) target(%dma_start3A_38 : memref<128x32xf32, #tpu.memory_space<vmem_shared>>) target_semaphore(%run_scoped3A : memref<!tpu.dma_semaphore, #tpu.memory_space<semaphore_mem>>)
        %dma_wait3A = arith.constant 0 : i32
        %dma_wait3A_39 = tpu.memref_slice %arg15[%add3A_37, %dma_wait3A] : memref<10240x32xf32, #tpu.memory_space<vmem_shared>> -> memref<128x32xf32, #tpu.memory_space<vmem_shared>>
        tpu.wait_dma2 semaphore(%run_scoped3A : memref<!tpu.dma_semaphore, #tpu.memory_space<semaphore_mem>>) src(%arg7 : memref<128x32xf32, #tpu.memory_space<hbm>>) dst(%dma_wait3A_39 : memref<128x32xf32, #tpu.memory_space<vmem_shared>>)
        tpu.yield
      }) : () -> ()
    }
    %scan3A_25 = arith.constant 5 : i32
    %barrier3A = arith.constant 0 : index
    tpu.barrier barrier_id(%barrier3A)
    %scan3A_26 = arith.constant 0 : i32
    %scan3A_27 = arith.constant 81 : i32
    %scan3A_28 = arith.addi %scan3A_26, %scan3A_27 : i32
    %scan3A_29 = arith.constant 1 : i32
    scf.for %scan3A_32 = %scan3A_26 to %scan3A_28 step %scan3A_29  : i32 {
      %mul3A_33 = arith.constant 128 : i32
      %mul3A_34 = arith.muli %scan3A_32, %mul3A_33 : i32
      %add3A_35 = arith.constant 0 : i32
      %add3A_36 = arith.addi %add3A_35, %mul3A_34 : i32
      %add3A_37 = arith.addi %mul3A_2, %add3A_36 : i32
      "tpu.region"() ({
        %run_scoped3A = tpu.sem_alloc : memref<!tpu.dma_semaphore, #tpu.memory_space<semaphore_mem>>
        %dma_start3A_53 = tpu.memref_slice %arg4[%add3A_37] : memref<331776xi32, #tpu.memory_space<hbm>> -> memref<128xi32, #tpu.memory_space<hbm>>
        %dma_start3A_54 = tpu.memref_slice %arg4[%add3A_37] : memref<331776xi32, #tpu.memory_space<hbm>> -> memref<128xi32, #tpu.memory_space<hbm>>
        tpu.enqueue_dma source(%dma_start3A_54 : memref<128xi32, #tpu.memory_space<hbm>>) target(%arg9 : memref<128xi32, #tpu.memory_space<vmem>>) target_semaphore(%run_scoped3A : memref<!tpu.dma_semaphore, #tpu.memory_space<semaphore_mem>>)
        %dma_wait3A_55 = tpu.memref_slice %arg4[%add3A_37] : memref<331776xi32, #tpu.memory_space<hbm>> -> memref<128xi32, #tpu.memory_space<hbm>>
        %dma_wait3A_56 = tpu.memref_slice %arg4[%add3A_37] : memref<331776xi32, #tpu.memory_space<hbm>> -> memref<128xi32, #tpu.memory_space<hbm>>
        tpu.wait_dma2 semaphore(%run_scoped3A : memref<!tpu.dma_semaphore, #tpu.memory_space<semaphore_mem>>) src(%dma_wait3A_56 : memref<128xi32, #tpu.memory_space<hbm>>) dst(%arg9 : memref<128xi32, #tpu.memory_space<vmem>>)
        tpu.yield
      }) : () -> ()
      "tpu.region"() ({
        %run_scoped3A = tpu.sem_alloc : memref<!tpu.dma_semaphore, #tpu.memory_space<semaphore_mem>>
        %dma_start3A_53 = tpu.memref_slice %arg5[%add3A_37] : memref<331776xi32, #tpu.memory_space<hbm>> -> memref<128xi32, #tpu.memory_space<hbm>>
        %dma_start3A_54 = tpu.memref_slice %arg5[%add3A_37] : memref<331776xi32, #tpu.memory_space<hbm>> -> memref<128xi32, #tpu.memory_space<hbm>>
        tpu.enqueue_dma source(%dma_start3A_54 : memref<128xi32, #tpu.memory_space<hbm>>) target(%arg10 : memref<128xi32, #tpu.memory_space<vmem>>) target_semaphore(%run_scoped3A : memref<!tpu.dma_semaphore, #tpu.memory_space<semaphore_mem>>)
        %dma_wait3A_55 = tpu.memref_slice %arg5[%add3A_37] : memref<331776xi32, #tpu.memory_space<hbm>> -> memref<128xi32, #tpu.memory_space<hbm>>
        %dma_wait3A_56 = tpu.memref_slice %arg5[%add3A_37] : memref<331776xi32, #tpu.memory_space<hbm>> -> memref<128xi32, #tpu.memory_space<hbm>>
        tpu.wait_dma2 semaphore(%run_scoped3A : memref<!tpu.dma_semaphore, #tpu.memory_space<semaphore_mem>>) src(%dma_wait3A_56 : memref<128xi32, #tpu.memory_space<hbm>>) dst(%arg10 : memref<128xi32, #tpu.memory_space<vmem>>)
        tpu.yield
      }) : () -> ()
      %dma_start3A = arith.constant 0 : i32
      %dma_start3A_38 = arith.constant 0 : i32
      %dma_start3A_39 = tpu.memref_slice %arg2[%dma_start3A, %dma_start3A_38] : memref<10240x16xf32, #tpu.memory_space<hbm>> -> memref<10240x16xf32, #tpu.memory_space<hbm>>
      tpu.enqueue_indirect_dma source(%dma_start3A_39 : memref<10240x16xf32, #tpu.memory_space<hbm>>) target(%arg11 : memref<128x16xf32, #tpu.memory_space<vmem>>) offsets(%arg9 : memref<128xi32, #tpu.memory_space<vmem>>) semaphore(%arg16 : memref<!tpu.dma_semaphore, #tpu.memory_space<semaphore_mem>>)
      %dma_start3A_40 = arith.constant 0 : i32
      %dma_start3A_41 = arith.constant 0 : i32
      %dma_start3A_42 = tpu.memref_slice %arg3[%dma_start3A_40, %dma_start3A_41] : memref<10240x16xf32, #tpu.memory_space<hbm>> -> memref<10240x16xf32, #tpu.memory_space<hbm>>
      tpu.enqueue_indirect_dma source(%dma_start3A_42 : memref<10240x16xf32, #tpu.memory_space<hbm>>) target(%arg12 : memref<128x16xf32, #tpu.memory_space<vmem>>) offsets(%arg10 : memref<128xi32, #tpu.memory_space<vmem>>) semaphore(%arg17 : memref<!tpu.dma_semaphore, #tpu.memory_space<semaphore_mem>>)
      %dma_wait3A = arith.constant 0 : i32
      %dma_wait3A_43 = arith.constant 0 : i32
      %dma_wait3A_44 = tpu.memref_slice %arg2[%dma_wait3A, %dma_wait3A_43] : memref<10240x16xf32, #tpu.memory_space<hbm>> -> memref<10240x16xf32, #tpu.memory_space<hbm>>
      tpu.wait_indirect_dma semaphore(%arg16 : memref<!tpu.dma_semaphore, #tpu.memory_space<semaphore_mem>>) src(%dma_wait3A_44 : memref<10240x16xf32, #tpu.memory_space<hbm>>) dst(%arg11 : memref<128x16xf32, #tpu.memory_space<vmem>>)
      %dma_wait3A_45 = arith.constant 0 : i32
      %dma_wait3A_46 = arith.constant 0 : i32
      %dma_wait3A_47 = tpu.memref_slice %arg3[%dma_wait3A_45, %dma_wait3A_46] : memref<10240x16xf32, #tpu.memory_space<hbm>> -> memref<10240x16xf32, #tpu.memory_space<hbm>>
      tpu.wait_indirect_dma semaphore(%arg17 : memref<!tpu.dma_semaphore, #tpu.memory_space<semaphore_mem>>) src(%dma_wait3A_47 : memref<10240x16xf32, #tpu.memory_space<hbm>>) dst(%arg12 : memref<128x16xf32, #tpu.memory_space<vmem>>)
      %scan3A_48 = arith.constant 0 : i32
      %scan3A_49 = arith.constant 128 : i32
      %scan3A_50 = arith.addi %scan3A_48, %scan3A_49 : i32
      %scan3A_51 = arith.constant 1 : i32
      scf.for %scan3A_53 = %scan3A_48 to %scan3A_50 step %scan3A_51  : i32 {
        %mul3A_54 = arith.constant 1 : i32
        %mul3A_55 = arith.muli %scan3A_53, %mul3A_54 : i32
        %add3A_56 = arith.constant 0 : i32
        %add3A_57 = arith.addi %add3A_56, %mul3A_55 : i32
        %get3A_58 = arith.index_cast %add3A_57 : i32 to index
        %get3A_59 = arith.constant 0 : index
        %get3A_60 = tpu.vector_load %arg11[%get3A_58, %get3A_59] {strides = array<i32>} : memref<128x16xf32, #tpu.memory_space<vmem>>, vector<16xf32>,
        %get3A_61 = arith.index_cast %add3A_57 : i32 to index
        %get3A_62 = arith.constant 0 : index
        %get3A_63 = tpu.vector_load %arg12[%get3A_61, %get3A_62] {strides = array<i32>} : memref<128x16xf32, #tpu.memory_space<vmem>>, vector<16xf32>,
        %add3A_64 = arith.addf %get3A_60, %get3A_63 : vector<16xf32>
        %mul3A_65 = arith.constant 2.000000e-01 : f32
        %mul3A_66 = vector.broadcast %mul3A_65 : f32 to vector<16xf32>
        %mul3A_67 = arith.mulf %mul3A_66, %add3A_64 : vector<16xf32>
        %max3A = arith.maximumf %add3A_64, %mul3A_67 : vector<16xf32>
        %mul3A_68 = arith.mulf %max3A, %get3A_21 : vector<16xf32>
        %xor3A = arith.constant 1 : i32
        %xor3A_69 = vector.broadcast %xor3A : i32 to vector<16xi32>
        %xor3A_70 = arith.xori %iota3A, %xor3A_69 : vector<16xi32>
        %broadcast_in_dim3A_71 = vector.shape_cast %xor3A_70 : vector<16xi32> to vector<16x1xi32>
        %gather3A = vector.shape_cast %broadcast_in_dim3A_71 : vector<16x1xi32> to vector<16xi32>
        %gather3A_72 = tpu.dynamic_gather %mul3A_68[%gather3A] in [0] : vector<16xf32>, vector<16xi32> -> vector<16xf32>
        %add3A_73 = arith.addf %mul3A_68, %gather3A_72 : vector<16xf32>
        %xor3A_74 = arith.constant 2 : i32
        %xor3A_75 = vector.broadcast %xor3A_74 : i32 to vector<16xi32>
        %xor3A_76 = arith.xori %iota3A, %xor3A_75 : vector<16xi32>
        %broadcast_in_dim3A_77 = vector.shape_cast %xor3A_76 : vector<16xi32> to vector<16x1xi32>
        %gather3A_78 = vector.shape_cast %broadcast_in_dim3A_77 : vector<16x1xi32> to vector<16xi32>
        %gather3A_79 = tpu.dynamic_gather %add3A_73[%gather3A_78] in [0] : vector<16xf32>, vector<16xi32> -> vector<16xf32>
        %add3A_80 = arith.addf %add3A_73, %gather3A_79 : vector<16xf32>
        %xor3A_81 = arith.constant 4 : i32
        %xor3A_82 = vector.broadcast %xor3A_81 : i32 to vector<16xi32>
        %xor3A_83 = arith.xori %iota3A, %xor3A_82 : vector<16xi32>
        %broadcast_in_dim3A_84 = vector.shape_cast %xor3A_83 : vector<16xi32> to vector<16x1xi32>
        %gather3A_85 = vector.shape_cast %broadcast_in_dim3A_84 : vector<16x1xi32> to vector<16xi32>
        %gather3A_86 = tpu.dynamic_gather %add3A_80[%gather3A_85] in [0] : vector<16xf32>, vector<16xi32> -> vector<16xf32>
        %add3A_87 = arith.addf %add3A_80, %gather3A_86 : vector<16xf32>
        %xor3A_88 = arith.constant 8 : i32
        %xor3A_89 = vector.broadcast %xor3A_88 : i32 to vector<16xi32>
        %xor3A_90 = arith.xori %iota3A, %xor3A_89 : vector<16xi32>
        %broadcast_in_dim3A_91 = vector.shape_cast %xor3A_90 : vector<16xi32> to vector<16x1xi32>
        %gather3A_92 = vector.shape_cast %broadcast_in_dim3A_91 : vector<16x1xi32> to vector<16xi32>
        %gather3A_93 = tpu.dynamic_gather %add3A_87[%gather3A_92] in [0] : vector<16xf32>, vector<16xi32> -> vector<16xf32>
        %add3A_94 = arith.addf %add3A_87, %gather3A_93 : vector<16xf32>
        %exp3A = math.exp %add3A_94 : vector<16xf32>
        %mul3A_95 = arith.mulf %get3A_60, %exp3A : vector<16xf32>
        %swap3A = arith.index_cast %add3A_57 : i32 to index
        %swap3A_96 = arith.constant 0 : index
        %swap3A_97 = tpu.vector_load %arg13[%swap3A, %swap3A_96] {strides = array<i32>} : memref<128x32xf32, #tpu.memory_space<vmem>>, vector<16xf32>,
        tpu.vector_store %arg13[%swap3A, %swap3A_96], %mul3A_95 {strides = array<i32>} : memref<128x32xf32, #tpu.memory_space<vmem>>, vector<16xf32>,
        %mul3A_98 = arith.mulf %exp3A, %convert_element_type3A_13 : vector<16xf32>
        %swap3A_99 = arith.index_cast %add3A_57 : i32 to index
        %swap3A_100 = arith.constant 16 : index
        %swap3A_101 = tpu.vector_load %arg13[%swap3A_99, %swap3A_100] {strides = array<i32>} : memref<128x32xf32, #tpu.memory_space<vmem>>, vector<16xf32>,
        tpu.vector_store %arg13[%swap3A_99, %swap3A_100], %mul3A_98 {strides = array<i32>} : memref<128x32xf32, #tpu.memory_space<vmem>>, vector<16xf32>,
      }
      %scan3A_52 = arith.constant 128 : i32
      "tpu.region"() ({
        %run_scoped3A = tpu.sem_alloc : memref<!tpu.dma_semaphore, #tpu.memory_space<semaphore_mem>>
        %dma_start3A_53 = arith.constant 0 : i32
        %dma_start3A_54 = arith.constant 0 : i32
        %dma_start3A_55 = tpu.memref_slice %arg15[%dma_start3A_53, %dma_start3A_54] : memref<10240x32xf32, #tpu.memory_space<vmem_shared>> -> memref<10240x32xf32, #tpu.memory_space<vmem_shared>>
        tpu.enqueue_indirect_dma source(%arg13 : memref<128x32xf32, #tpu.memory_space<vmem>>) target(%dma_start3A_55 : memref<10240x32xf32, #tpu.memory_space<vmem_shared>>) offsets(%arg10 : memref<128xi32, #tpu.memory_space<vmem>>) semaphore(%run_scoped3A : memref<!tpu.dma_semaphore, #tpu.memory_space<semaphore_mem>>) {add = true}
        %dma_wait3A_56 = arith.constant 0 : i32
        %dma_wait3A_57 = arith.constant 0 : i32
        %dma_wait3A_58 = tpu.memref_slice %arg15[%dma_wait3A_56, %dma_wait3A_57] : memref<10240x32xf32, #tpu.memory_space<vmem_shared>> -> memref<10240x32xf32, #tpu.memory_space<vmem_shared>>
        tpu.wait_indirect_dma semaphore(%run_scoped3A : memref<!tpu.dma_semaphore, #tpu.memory_space<semaphore_mem>>) src(%arg13 : memref<128x32xf32, #tpu.memory_space<vmem>>) dst(%dma_wait3A_58 : memref<10240x32xf32, #tpu.memory_space<vmem_shared>>)
        tpu.yield
      }) : () -> ()
    }
    %scan3A_30 = arith.constant 81 : i32
    %barrier3A_31 = arith.constant 0 : index
    tpu.barrier barrier_id(%barrier3A_31)
    "tpu.region"() ({
      %run_scoped3A = tpu.sem_alloc : memref<!tpu.dma_semaphore, #tpu.memory_space<semaphore_mem>>
      %dma_start3A = arith.constant 0 : i32
      %dma_start3A_32 = tpu.memref_slice %arg8[%arg0, %mul3A_4, %dma_start3A] : memref<2x10240x32xf32, #tpu.memory_space<hbm>> -> memref<1x640x32xf32, #tpu.memory_space<hbm>>
      %dma_start3A_33 = tpu.memref_squeeze %dma_start3A_32 : memref<1x640x32xf32, #tpu.memory_space<hbm>> -> memref<640x32xf32, #tpu.memory_space<hbm>>
      %dma_start3A_34 = arith.constant 0 : i32
      %dma_start3A_35 = tpu.memref_slice %arg15[%mul3A_4, %dma_start3A_34] : memref<10240x32xf32, #tpu.memory_space<vmem_shared>> -> memref<640x32xf32, #tpu.memory_space<vmem_shared>>
      tpu.enqueue_dma source(%dma_start3A_35 : memref<640x32xf32, #tpu.memory_space<vmem_shared>>) target(%dma_start3A_33 : memref<640x32xf32, #tpu.memory_space<hbm>>) target_semaphore(%run_scoped3A : memref<!tpu.dma_semaphore, #tpu.memory_space<semaphore_mem>>)
      %dma_wait3A = arith.constant 0 : i32
      %dma_wait3A_36 = tpu.memref_slice %arg8[%arg0, %mul3A_4, %dma_wait3A] : memref<2x10240x32xf32, #tpu.memory_space<hbm>> -> memref<1x640x32xf32, #tpu.memory_space<hbm>>
      %dma_wait3A_37 = tpu.memref_squeeze %dma_wait3A_36 : memref<1x640x32xf32, #tpu.memory_space<hbm>> -> memref<640x32xf32, #tpu.memory_space<hbm>>
      %dma_wait3A_38 = arith.constant 0 : i32
      %dma_wait3A_39 = tpu.memref_slice %arg15[%mul3A_4, %dma_wait3A_38] : memref<10240x32xf32, #tpu.memory_space<vmem_shared>> -> memref<640x32xf32, #tpu.memory_space<vmem_shared>>
      tpu.wait_dma2 semaphore(%run_scoped3A : memref<!tpu.dma_semaphore, #tpu.memory_space<semaphore_mem>>) src(%dma_wait3A_39 : memref<640x32xf32, #tpu.memory_space<vmem_shared>>) dst(%dma_wait3A_37 : memref<640x32xf32, #tpu.memory_space<hbm>>)
      tpu.yield
    }) : () -> ()
    return
  }
}

#map = affine_map<(d0, d1) -> (0, 0)>
#map1 = affine_map<(d0, d1) -> (0)>
#map2 = affine_map<(d0, d1) -> (0, 0, 0)>
module attributes {stable_mosaic.version = 14 : i64} {
  func.func @_edge_body(%arg0: i32, %arg1: i32, %arg2: memref<10016x64xf32, #tpu.memory_space<hbm>>, %arg3: memref<10016x64xf32, #tpu.memory_space<hbm>>, %arg4: memref<331776xi32, #tpu.memory_space<hbm>>, %arg5: memref<331776xi32, #tpu.memory_space<hbm>>, %arg6: memref<64xf32, #tpu.memory_space<hbm>>, %arg7: memref<128x80xf32, #tpu.memory_space<hbm>>, %arg8: memref<2x10240x80xf32, #tpu.memory_space<hbm>>, %arg9: memref<128xi32, #tpu.memory_space<vmem>>, %arg10: memref<128xi32, #tpu.memory_space<vmem>>, %arg11: memref<128x64xf32, #tpu.memory_space<vmem>>, %arg12: memref<128x64xf32, #tpu.memory_space<vmem>>, %arg13: memref<128x80xf32, #tpu.memory_space<vmem>>, %arg14: memref<64xf32, #tpu.memory_space<vmem>>, %arg15: memref<10240x80xf32, #tpu.memory_space<vmem_shared>>, %arg16: memref<!tpu.dma_semaphore, #tpu.memory_space<semaphore_mem>>, %arg17: memref<!tpu.dma_semaphore, #tpu.memory_space<semaphore_mem>>) attributes {dimension_semantics = [#tpu.dimension_semantics<core_parallel>, #tpu.dimension_semantics<subcore_parallel>], iteration_bounds = array<i64: 2, 16>, scalar_prefetch = 0 : i64, scratch_operands = 9 : i64, tpu.core_type = #tpu.core_type<sc_vector_subcore>, window_params = [{transform_indices = #map}, {transform_indices = #map}, {transform_indices = #map1}, {transform_indices = #map1}, {transform_indices = #map1}, {transform_indices = #map}, {transform_indices = #map2}]} {
    %mul3A = arith.constant 2 : i32
    %mul3A_0 = arith.muli %arg1, %mul3A : i32
    %add3A = arith.addi %mul3A_0, %arg0 : i32
    %mul3A_1 = arith.constant 10368 : i32
    %mul3A_2 = arith.muli %add3A, %mul3A_1 : i32
    %mul3A_3 = arith.constant 640 : i32
    %mul3A_4 = arith.muli %arg1, %mul3A_3 : i32
    %iota3A = tpu.iota {dimensions = array<i32: 0>} : vector<16xi32>
    %and3A = arith.constant 1 : i32
    %and3A_5 = vector.broadcast %and3A : i32 to vector<16xi32>
    %and3A_6 = arith.andi %iota3A, %and3A_5 : vector<16xi32>
    %mul3A_7 = arith.constant 8 : i32
    %mul3A_8 = vector.broadcast %mul3A_7 : i32 to vector<16xi32>
    %mul3A_9 = arith.muli %and3A_6, %mul3A_8 : vector<16xi32>
    %broadcast_in_dim3A = arith.constant 0.000000e+00 : f32
    %broadcast_in_dim3A_10 = vector.broadcast %broadcast_in_dim3A : f32 to vector<16xf32>
    %eq3A = arith.constant 0 : i32
    %eq3A_11 = vector.broadcast %eq3A : i32 to vector<16xi32>
    %eq3A_12 = arith.cmpi eq, %iota3A, %eq3A_11 : vector<16xi32>
    %convert_element_type3A = arith.extui %eq3A_12 : vector<16xi1> to vector<16xi32>
    %convert_element_type3A_13 = arith.sitofp %convert_element_type3A : vector<16xi32> to vector<16xf32>
    %shift_right_arithmetic3A = arith.constant 1 : i32
    %shift_right_arithmetic3A_14 = vector.broadcast %shift_right_arithmetic3A : i32 to vector<16xi32>
    %shift_right_arithmetic3A_15 = arith.shrsi %iota3A, %shift_right_arithmetic3A_14 : vector<16xi32>
    %eq3A_16 = arith.constant 0 : i32
    %eq3A_17 = vector.broadcast %eq3A_16 : i32 to vector<16xi32>
    %eq3A_18 = arith.cmpi eq, %shift_right_arithmetic3A_15, %eq3A_17 : vector<16xi32>
    %convert_element_type3A_19 = arith.extui %eq3A_18 : vector<16xi1> to vector<16xi32>
    %convert_element_type3A_20 = arith.sitofp %convert_element_type3A_19 : vector<16xi32> to vector<16xf32>
    %shift_right_arithmetic3A_21 = arith.constant 1 : i32
    %shift_right_arithmetic3A_22 = vector.broadcast %shift_right_arithmetic3A_21 : i32 to vector<16xi32>
    %shift_right_arithmetic3A_23 = arith.shrsi %iota3A, %shift_right_arithmetic3A_22 : vector<16xi32>
    %eq3A_24 = arith.constant 1 : i32
    %eq3A_25 = vector.broadcast %eq3A_24 : i32 to vector<16xi32>
    %eq3A_26 = arith.cmpi eq, %shift_right_arithmetic3A_23, %eq3A_25 : vector<16xi32>
    %convert_element_type3A_27 = arith.extui %eq3A_26 : vector<16xi1> to vector<16xi32>
    %convert_element_type3A_28 = arith.sitofp %convert_element_type3A_27 : vector<16xi32> to vector<16xf32>
    %shift_right_arithmetic3A_29 = arith.constant 1 : i32
    %shift_right_arithmetic3A_30 = vector.broadcast %shift_right_arithmetic3A_29 : i32 to vector<16xi32>
    %shift_right_arithmetic3A_31 = arith.shrsi %iota3A, %shift_right_arithmetic3A_30 : vector<16xi32>
    %eq3A_32 = arith.constant 2 : i32
    %eq3A_33 = vector.broadcast %eq3A_32 : i32 to vector<16xi32>
    %eq3A_34 = arith.cmpi eq, %shift_right_arithmetic3A_31, %eq3A_33 : vector<16xi32>
    %convert_element_type3A_35 = arith.extui %eq3A_34 : vector<16xi1> to vector<16xi32>
    %convert_element_type3A_36 = arith.sitofp %convert_element_type3A_35 : vector<16xi32> to vector<16xf32>
    %shift_right_arithmetic3A_37 = arith.constant 1 : i32
    %shift_right_arithmetic3A_38 = vector.broadcast %shift_right_arithmetic3A_37 : i32 to vector<16xi32>
    %shift_right_arithmetic3A_39 = arith.shrsi %iota3A, %shift_right_arithmetic3A_38 : vector<16xi32>
    %eq3A_40 = arith.constant 3 : i32
    %eq3A_41 = vector.broadcast %eq3A_40 : i32 to vector<16xi32>
    %eq3A_42 = arith.cmpi eq, %shift_right_arithmetic3A_39, %eq3A_41 : vector<16xi32>
    %convert_element_type3A_43 = arith.extui %eq3A_42 : vector<16xi1> to vector<16xi32>
    %convert_element_type3A_44 = arith.sitofp %convert_element_type3A_43 : vector<16xi32> to vector<16xf32>
    "tpu.region"() ({
      %run_scoped3A = tpu.sem_alloc : memref<!tpu.dma_semaphore, #tpu.memory_space<semaphore_mem>>
      tpu.enqueue_dma source(%arg6 : memref<64xf32, #tpu.memory_space<hbm>>) target(%arg14 : memref<64xf32, #tpu.memory_space<vmem>>) target_semaphore(%run_scoped3A : memref<!tpu.dma_semaphore, #tpu.memory_space<semaphore_mem>>)
      tpu.wait_dma2 semaphore(%run_scoped3A : memref<!tpu.dma_semaphore, #tpu.memory_space<semaphore_mem>>) src(%arg6 : memref<64xf32, #tpu.memory_space<hbm>>) dst(%arg14 : memref<64xf32, #tpu.memory_space<vmem>>)
      tpu.yield
    }) : () -> ()
    %get3A = arith.constant 0 : index
    %get3A_45 = tpu.vector_load %arg14[%get3A] {strides = array<i32>} : memref<64xf32, #tpu.memory_space<vmem>>, vector<16xf32>,
    %get3A_46 = arith.constant 16 : index
    %get3A_47 = tpu.vector_load %arg14[%get3A_46] {strides = array<i32>} : memref<64xf32, #tpu.memory_space<vmem>>, vector<16xf32>,
    %get3A_48 = arith.constant 32 : index
    %get3A_49 = tpu.vector_load %arg14[%get3A_48] {strides = array<i32>} : memref<64xf32, #tpu.memory_space<vmem>>, vector<16xf32>,
    %get3A_50 = arith.constant 48 : index
    %get3A_51 = tpu.vector_load %arg14[%get3A_50] {strides = array<i32>} : memref<64xf32, #tpu.memory_space<vmem>>, vector<16xf32>,
    %scan3A = arith.constant 0 : i32
    %scan3A_52 = arith.constant 5 : i32
    %scan3A_53 = arith.addi %scan3A, %scan3A_52 : i32
    %scan3A_54 = arith.constant 1 : i32
    scf.for %scan3A_62 = %scan3A to %scan3A_53 step %scan3A_54  : i32 {
      %mul3A_63 = arith.constant 128 : i32
      %mul3A_64 = arith.muli %scan3A_62, %mul3A_63 : i32
      %add3A_65 = arith.constant 0 : i32
      %add3A_66 = arith.addi %add3A_65, %mul3A_64 : i32
      %add3A_67 = arith.addi %mul3A_4, %add3A_66 : i32
      "tpu.region"() ({
        %run_scoped3A = tpu.sem_alloc : memref<!tpu.dma_semaphore, #tpu.memory_space<semaphore_mem>>
        %dma_start3A = arith.constant 0 : i32
        %dma_start3A_68 = tpu.memref_slice %arg15[%add3A_67, %dma_start3A] : memref<10240x80xf32, #tpu.memory_space<vmem_shared>> -> memref<128x80xf32, #tpu.memory_space<vmem_shared>>
        tpu.enqueue_dma source(%arg7 : memref<128x80xf32, #tpu.memory_space<hbm>>) target(%dma_start3A_68 : memref<128x80xf32, #tpu.memory_space<vmem_shared>>) target_semaphore(%run_scoped3A : memref<!tpu.dma_semaphore, #tpu.memory_space<semaphore_mem>>)
        %dma_wait3A = arith.constant 0 : i32
        %dma_wait3A_69 = tpu.memref_slice %arg15[%add3A_67, %dma_wait3A] : memref<10240x80xf32, #tpu.memory_space<vmem_shared>> -> memref<128x80xf32, #tpu.memory_space<vmem_shared>>
        tpu.wait_dma2 semaphore(%run_scoped3A : memref<!tpu.dma_semaphore, #tpu.memory_space<semaphore_mem>>) src(%arg7 : memref<128x80xf32, #tpu.memory_space<hbm>>) dst(%dma_wait3A_69 : memref<128x80xf32, #tpu.memory_space<vmem_shared>>)
        tpu.yield
      }) : () -> ()
    }
    %scan3A_55 = arith.constant 5 : i32
    %barrier3A = arith.constant 0 : index
    tpu.barrier barrier_id(%barrier3A)
    %scan3A_56 = arith.constant 0 : i32
    %scan3A_57 = arith.constant 81 : i32
    %scan3A_58 = arith.addi %scan3A_56, %scan3A_57 : i32
    %scan3A_59 = arith.constant 1 : i32
    scf.for %scan3A_62 = %scan3A_56 to %scan3A_58 step %scan3A_59  : i32 {
      %mul3A_63 = arith.constant 128 : i32
      %mul3A_64 = arith.muli %scan3A_62, %mul3A_63 : i32
      %add3A_65 = arith.constant 0 : i32
      %add3A_66 = arith.addi %add3A_65, %mul3A_64 : i32
      %add3A_67 = arith.addi %mul3A_2, %add3A_66 : i32
      "tpu.region"() ({
        %run_scoped3A = tpu.sem_alloc : memref<!tpu.dma_semaphore, #tpu.memory_space<semaphore_mem>>
        %dma_start3A_83 = tpu.memref_slice %arg4[%add3A_67] : memref<331776xi32, #tpu.memory_space<hbm>> -> memref<128xi32, #tpu.memory_space<hbm>>
        %dma_start3A_84 = tpu.memref_slice %arg4[%add3A_67] : memref<331776xi32, #tpu.memory_space<hbm>> -> memref<128xi32, #tpu.memory_space<hbm>>
        tpu.enqueue_dma source(%dma_start3A_84 : memref<128xi32, #tpu.memory_space<hbm>>) target(%arg9 : memref<128xi32, #tpu.memory_space<vmem>>) target_semaphore(%run_scoped3A : memref<!tpu.dma_semaphore, #tpu.memory_space<semaphore_mem>>)
        %dma_wait3A_85 = tpu.memref_slice %arg4[%add3A_67] : memref<331776xi32, #tpu.memory_space<hbm>> -> memref<128xi32, #tpu.memory_space<hbm>>
        %dma_wait3A_86 = tpu.memref_slice %arg4[%add3A_67] : memref<331776xi32, #tpu.memory_space<hbm>> -> memref<128xi32, #tpu.memory_space<hbm>>
        tpu.wait_dma2 semaphore(%run_scoped3A : memref<!tpu.dma_semaphore, #tpu.memory_space<semaphore_mem>>) src(%dma_wait3A_86 : memref<128xi32, #tpu.memory_space<hbm>>) dst(%arg9 : memref<128xi32, #tpu.memory_space<vmem>>)
        tpu.yield
      }) : () -> ()
      "tpu.region"() ({
        %run_scoped3A = tpu.sem_alloc : memref<!tpu.dma_semaphore, #tpu.memory_space<semaphore_mem>>
        %dma_start3A_83 = tpu.memref_slice %arg5[%add3A_67] : memref<331776xi32, #tpu.memory_space<hbm>> -> memref<128xi32, #tpu.memory_space<hbm>>
        %dma_start3A_84 = tpu.memref_slice %arg5[%add3A_67] : memref<331776xi32, #tpu.memory_space<hbm>> -> memref<128xi32, #tpu.memory_space<hbm>>
        tpu.enqueue_dma source(%dma_start3A_84 : memref<128xi32, #tpu.memory_space<hbm>>) target(%arg10 : memref<128xi32, #tpu.memory_space<vmem>>) target_semaphore(%run_scoped3A : memref<!tpu.dma_semaphore, #tpu.memory_space<semaphore_mem>>)
        %dma_wait3A_85 = tpu.memref_slice %arg5[%add3A_67] : memref<331776xi32, #tpu.memory_space<hbm>> -> memref<128xi32, #tpu.memory_space<hbm>>
        %dma_wait3A_86 = tpu.memref_slice %arg5[%add3A_67] : memref<331776xi32, #tpu.memory_space<hbm>> -> memref<128xi32, #tpu.memory_space<hbm>>
        tpu.wait_dma2 semaphore(%run_scoped3A : memref<!tpu.dma_semaphore, #tpu.memory_space<semaphore_mem>>) src(%dma_wait3A_86 : memref<128xi32, #tpu.memory_space<hbm>>) dst(%arg10 : memref<128xi32, #tpu.memory_space<vmem>>)
        tpu.yield
      }) : () -> ()
      %dma_start3A = arith.constant 0 : i32
      %dma_start3A_68 = arith.constant 0 : i32
      %dma_start3A_69 = tpu.memref_slice %arg2[%dma_start3A, %dma_start3A_68] : memref<10016x64xf32, #tpu.memory_space<hbm>> -> memref<10016x64xf32, #tpu.memory_space<hbm>>
      tpu.enqueue_indirect_dma source(%dma_start3A_69 : memref<10016x64xf32, #tpu.memory_space<hbm>>) target(%arg11 : memref<128x64xf32, #tpu.memory_space<vmem>>) offsets(%arg9 : memref<128xi32, #tpu.memory_space<vmem>>) semaphore(%arg16 : memref<!tpu.dma_semaphore, #tpu.memory_space<semaphore_mem>>)
      %dma_start3A_70 = arith.constant 0 : i32
      %dma_start3A_71 = arith.constant 0 : i32
      %dma_start3A_72 = tpu.memref_slice %arg3[%dma_start3A_70, %dma_start3A_71] : memref<10016x64xf32, #tpu.memory_space<hbm>> -> memref<10016x64xf32, #tpu.memory_space<hbm>>
      tpu.enqueue_indirect_dma source(%dma_start3A_72 : memref<10016x64xf32, #tpu.memory_space<hbm>>) target(%arg12 : memref<128x64xf32, #tpu.memory_space<vmem>>) offsets(%arg10 : memref<128xi32, #tpu.memory_space<vmem>>) semaphore(%arg17 : memref<!tpu.dma_semaphore, #tpu.memory_space<semaphore_mem>>)
      %dma_wait3A = arith.constant 0 : i32
      %dma_wait3A_73 = arith.constant 0 : i32
      %dma_wait3A_74 = tpu.memref_slice %arg2[%dma_wait3A, %dma_wait3A_73] : memref<10016x64xf32, #tpu.memory_space<hbm>> -> memref<10016x64xf32, #tpu.memory_space<hbm>>
      tpu.wait_indirect_dma semaphore(%arg16 : memref<!tpu.dma_semaphore, #tpu.memory_space<semaphore_mem>>) src(%dma_wait3A_74 : memref<10016x64xf32, #tpu.memory_space<hbm>>) dst(%arg11 : memref<128x64xf32, #tpu.memory_space<vmem>>)
      %dma_wait3A_75 = arith.constant 0 : i32
      %dma_wait3A_76 = arith.constant 0 : i32
      %dma_wait3A_77 = tpu.memref_slice %arg3[%dma_wait3A_75, %dma_wait3A_76] : memref<10016x64xf32, #tpu.memory_space<hbm>> -> memref<10016x64xf32, #tpu.memory_space<hbm>>
      tpu.wait_indirect_dma semaphore(%arg17 : memref<!tpu.dma_semaphore, #tpu.memory_space<semaphore_mem>>) src(%dma_wait3A_77 : memref<10016x64xf32, #tpu.memory_space<hbm>>) dst(%arg12 : memref<128x64xf32, #tpu.memory_space<vmem>>)
      %scan3A_78 = arith.constant 0 : i32
      %scan3A_79 = arith.constant 128 : i32
      %scan3A_80 = arith.addi %scan3A_78, %scan3A_79 : i32
      %scan3A_81 = arith.constant 1 : i32
      scf.for %scan3A_83 = %scan3A_78 to %scan3A_80 step %scan3A_81  : i32 {
        %mul3A_84 = arith.constant 1 : i32
        %mul3A_85 = arith.muli %scan3A_83, %mul3A_84 : i32
        %add3A_86 = arith.constant 0 : i32
        %add3A_87 = arith.addi %add3A_86, %mul3A_85 : i32
        %get3A_88 = arith.index_cast %add3A_87 : i32 to index
        %get3A_89 = arith.constant 0 : index
        %get3A_90 = tpu.vector_load %arg11[%get3A_88, %get3A_89] {strides = array<i32>} : memref<128x64xf32, #tpu.memory_space<vmem>>, vector<16xf32>,
        %get3A_91 = arith.index_cast %add3A_87 : i32 to index
        %get3A_92 = arith.constant 0 : index
        %get3A_93 = tpu.vector_load %arg12[%get3A_91, %get3A_92] {strides = array<i32>} : memref<128x64xf32, #tpu.memory_space<vmem>>, vector<16xf32>,
        %add3A_94 = arith.addf %get3A_90, %get3A_93 : vector<16xf32>
        %mul3A_95 = arith.constant 2.000000e-01 : f32
        %mul3A_96 = vector.broadcast %mul3A_95 : f32 to vector<16xf32>
        %mul3A_97 = arith.mulf %mul3A_96, %add3A_94 : vector<16xf32>
        %max3A = arith.maximumf %add3A_94, %mul3A_97 : vector<16xf32>
        %mul3A_98 = arith.mulf %max3A, %get3A_45 : vector<16xf32>
        %xor3A = arith.constant 1 : i32
        %xor3A_99 = vector.broadcast %xor3A : i32 to vector<16xi32>
        %xor3A_100 = arith.xori %iota3A, %xor3A_99 : vector<16xi32>
        %broadcast_in_dim3A_101 = vector.shape_cast %xor3A_100 : vector<16xi32> to vector<16x1xi32>
        %gather3A = vector.shape_cast %broadcast_in_dim3A_101 : vector<16x1xi32> to vector<16xi32>
        %gather3A_102 = tpu.dynamic_gather %mul3A_98[%gather3A] in [0] : vector<16xf32>, vector<16xi32> -> vector<16xf32>
        %add3A_103 = arith.addf %mul3A_98, %gather3A_102 : vector<16xf32>
        %xor3A_104 = arith.constant 2 : i32
        %xor3A_105 = vector.broadcast %xor3A_104 : i32 to vector<16xi32>
        %xor3A_106 = arith.xori %iota3A, %xor3A_105 : vector<16xi32>
        %broadcast_in_dim3A_107 = vector.shape_cast %xor3A_106 : vector<16xi32> to vector<16x1xi32>
        %gather3A_108 = vector.shape_cast %broadcast_in_dim3A_107 : vector<16x1xi32> to vector<16xi32>
        %gather3A_109 = tpu.dynamic_gather %add3A_103[%gather3A_108] in [0] : vector<16xf32>, vector<16xi32> -> vector<16xf32>
        %add3A_110 = arith.addf %add3A_103, %gather3A_109 : vector<16xf32>
        %xor3A_111 = arith.constant 4 : i32
        %xor3A_112 = vector.broadcast %xor3A_111 : i32 to vector<16xi32>
        %xor3A_113 = arith.xori %iota3A, %xor3A_112 : vector<16xi32>
        %broadcast_in_dim3A_114 = vector.shape_cast %xor3A_113 : vector<16xi32> to vector<16x1xi32>
        %gather3A_115 = vector.shape_cast %broadcast_in_dim3A_114 : vector<16x1xi32> to vector<16xi32>
        %gather3A_116 = tpu.dynamic_gather %add3A_110[%gather3A_115] in [0] : vector<16xf32>, vector<16xi32> -> vector<16xf32>
        %add3A_117 = arith.addf %add3A_110, %gather3A_116 : vector<16xf32>
        %exp3A = math.exp %add3A_117 : vector<16xf32>
        %mul3A_118 = arith.mulf %get3A_90, %exp3A : vector<16xf32>
        %swap3A = arith.index_cast %add3A_87 : i32 to index
        %swap3A_119 = arith.constant 0 : index
        %swap3A_120 = tpu.vector_load %arg13[%swap3A, %swap3A_119] {strides = array<i32>} : memref<128x80xf32, #tpu.memory_space<vmem>>, vector<16xf32>,
        tpu.vector_store %arg13[%swap3A, %swap3A_119], %mul3A_118 {strides = array<i32>} : memref<128x80xf32, #tpu.memory_space<vmem>>, vector<16xf32>,
        %get3A_121 = arith.index_cast %add3A_87 : i32 to index
        %get3A_122 = arith.constant 16 : index
        %get3A_123 = tpu.vector_load %arg11[%get3A_121, %get3A_122] {strides = array<i32>} : memref<128x64xf32, #tpu.memory_space<vmem>>, vector<16xf32>,
        %get3A_124 = arith.index_cast %add3A_87 : i32 to index
        %get3A_125 = arith.constant 16 : index
        %get3A_126 = tpu.vector_load %arg12[%get3A_124, %get3A_125] {strides = array<i32>} : memref<128x64xf32, #tpu.memory_space<vmem>>, vector<16xf32>,
        %add3A_127 = arith.addf %get3A_123, %get3A_126 : vector<16xf32>
        %mul3A_128 = arith.constant 2.000000e-01 : f32
        %mul3A_129 = vector.broadcast %mul3A_128 : f32 to vector<16xf32>
        %mul3A_130 = arith.mulf %mul3A_129, %add3A_127 : vector<16xf32>
        %max3A_131 = arith.maximumf %add3A_127, %mul3A_130 : vector<16xf32>
        %mul3A_132 = arith.mulf %max3A_131, %get3A_47 : vector<16xf32>
        %xor3A_133 = arith.constant 1 : i32
        %xor3A_134 = vector.broadcast %xor3A_133 : i32 to vector<16xi32>
        %xor3A_135 = arith.xori %iota3A, %xor3A_134 : vector<16xi32>
        %broadcast_in_dim3A_136 = vector.shape_cast %xor3A_135 : vector<16xi32> to vector<16x1xi32>
        %gather3A_137 = vector.shape_cast %broadcast_in_dim3A_136 : vector<16x1xi32> to vector<16xi32>
        %gather3A_138 = tpu.dynamic_gather %mul3A_132[%gather3A_137] in [0] : vector<16xf32>, vector<16xi32> -> vector<16xf32>
        %add3A_139 = arith.addf %mul3A_132, %gather3A_138 : vector<16xf32>
        %xor3A_140 = arith.constant 2 : i32
        %xor3A_141 = vector.broadcast %xor3A_140 : i32 to vector<16xi32>
        %xor3A_142 = arith.xori %iota3A, %xor3A_141 : vector<16xi32>
        %broadcast_in_dim3A_143 = vector.shape_cast %xor3A_142 : vector<16xi32> to vector<16x1xi32>
        %gather3A_144 = vector.shape_cast %broadcast_in_dim3A_143 : vector<16x1xi32> to vector<16xi32>
        %gather3A_145 = tpu.dynamic_gather %add3A_139[%gather3A_144] in [0] : vector<16xf32>, vector<16xi32> -> vector<16xf32>
        %add3A_146 = arith.addf %add3A_139, %gather3A_145 : vector<16xf32>
        %xor3A_147 = arith.constant 4 : i32
        %xor3A_148 = vector.broadcast %xor3A_147 : i32 to vector<16xi32>
        %xor3A_149 = arith.xori %iota3A, %xor3A_148 : vector<16xi32>
        %broadcast_in_dim3A_150 = vector.shape_cast %xor3A_149 : vector<16xi32> to vector<16x1xi32>
        %gather3A_151 = vector.shape_cast %broadcast_in_dim3A_150 : vector<16x1xi32> to vector<16xi32>
        %gather3A_152 = tpu.dynamic_gather %add3A_146[%gather3A_151] in [0] : vector<16xf32>, vector<16xi32> -> vector<16xf32>
        %add3A_153 = arith.addf %add3A_146, %gather3A_152 : vector<16xf32>
        %exp3A_154 = math.exp %add3A_153 : vector<16xf32>
        %mul3A_155 = arith.mulf %get3A_123, %exp3A_154 : vector<16xf32>
        %swap3A_156 = arith.index_cast %add3A_87 : i32 to index
        %swap3A_157 = arith.constant 16 : index
        %swap3A_158 = tpu.vector_load %arg13[%swap3A_156, %swap3A_157] {strides = array<i32>} : memref<128x80xf32, #tpu.memory_space<vmem>>, vector<16xf32>,
        tpu.vector_store %arg13[%swap3A_156, %swap3A_157], %mul3A_155 {strides = array<i32>} : memref<128x80xf32, #tpu.memory_space<vmem>>, vector<16xf32>,
        %get3A_159 = arith.index_cast %add3A_87 : i32 to index
        %get3A_160 = arith.constant 32 : index
        %get3A_161 = tpu.vector_load %arg11[%get3A_159, %get3A_160] {strides = array<i32>} : memref<128x64xf32, #tpu.memory_space<vmem>>, vector<16xf32>,
        %get3A_162 = arith.index_cast %add3A_87 : i32 to index
        %get3A_163 = arith.constant 32 : index
        %get3A_164 = tpu.vector_load %arg12[%get3A_162, %get3A_163] {strides = array<i32>} : memref<128x64xf32, #tpu.memory_space<vmem>>, vector<16xf32>,
        %add3A_165 = arith.addf %get3A_161, %get3A_164 : vector<16xf32>
        %mul3A_166 = arith.constant 2.000000e-01 : f32
        %mul3A_167 = vector.broadcast %mul3A_166 : f32 to vector<16xf32>
        %mul3A_168 = arith.mulf %mul3A_167, %add3A_165 : vector<16xf32>
        %max3A_169 = arith.maximumf %add3A_165, %mul3A_168 : vector<16xf32>
        %mul3A_170 = arith.mulf %max3A_169, %get3A_49 : vector<16xf32>
        %xor3A_171 = arith.constant 1 : i32
        %xor3A_172 = vector.broadcast %xor3A_171 : i32 to vector<16xi32>
        %xor3A_173 = arith.xori %iota3A, %xor3A_172 : vector<16xi32>
        %broadcast_in_dim3A_174 = vector.shape_cast %xor3A_173 : vector<16xi32> to vector<16x1xi32>
        %gather3A_175 = vector.shape_cast %broadcast_in_dim3A_174 : vector<16x1xi32> to vector<16xi32>
        %gather3A_176 = tpu.dynamic_gather %mul3A_170[%gather3A_175] in [0] : vector<16xf32>, vector<16xi32> -> vector<16xf32>
        %add3A_177 = arith.addf %mul3A_170, %gather3A_176 : vector<16xf32>
        %xor3A_178 = arith.constant 2 : i32
        %xor3A_179 = vector.broadcast %xor3A_178 : i32 to vector<16xi32>
        %xor3A_180 = arith.xori %iota3A, %xor3A_179 : vector<16xi32>
        %broadcast_in_dim3A_181 = vector.shape_cast %xor3A_180 : vector<16xi32> to vector<16x1xi32>
        %gather3A_182 = vector.shape_cast %broadcast_in_dim3A_181 : vector<16x1xi32> to vector<16xi32>
        %gather3A_183 = tpu.dynamic_gather %add3A_177[%gather3A_182] in [0] : vector<16xf32>, vector<16xi32> -> vector<16xf32>
        %add3A_184 = arith.addf %add3A_177, %gather3A_183 : vector<16xf32>
        %xor3A_185 = arith.constant 4 : i32
        %xor3A_186 = vector.broadcast %xor3A_185 : i32 to vector<16xi32>
        %xor3A_187 = arith.xori %iota3A, %xor3A_186 : vector<16xi32>
        %broadcast_in_dim3A_188 = vector.shape_cast %xor3A_187 : vector<16xi32> to vector<16x1xi32>
        %gather3A_189 = vector.shape_cast %broadcast_in_dim3A_188 : vector<16x1xi32> to vector<16xi32>
        %gather3A_190 = tpu.dynamic_gather %add3A_184[%gather3A_189] in [0] : vector<16xf32>, vector<16xi32> -> vector<16xf32>
        %add3A_191 = arith.addf %add3A_184, %gather3A_190 : vector<16xf32>
        %exp3A_192 = math.exp %add3A_191 : vector<16xf32>
        %mul3A_193 = arith.mulf %get3A_161, %exp3A_192 : vector<16xf32>
        %swap3A_194 = arith.index_cast %add3A_87 : i32 to index
        %swap3A_195 = arith.constant 32 : index
        %swap3A_196 = tpu.vector_load %arg13[%swap3A_194, %swap3A_195] {strides = array<i32>} : memref<128x80xf32, #tpu.memory_space<vmem>>, vector<16xf32>,
        tpu.vector_store %arg13[%swap3A_194, %swap3A_195], %mul3A_193 {strides = array<i32>} : memref<128x80xf32, #tpu.memory_space<vmem>>, vector<16xf32>,
        %get3A_197 = arith.index_cast %add3A_87 : i32 to index
        %get3A_198 = arith.constant 48 : index
        %get3A_199 = tpu.vector_load %arg11[%get3A_197, %get3A_198] {strides = array<i32>} : memref<128x64xf32, #tpu.memory_space<vmem>>, vector<16xf32>,
        %get3A_200 = arith.index_cast %add3A_87 : i32 to index
        %get3A_201 = arith.constant 48 : index
        %get3A_202 = tpu.vector_load %arg12[%get3A_200, %get3A_201] {strides = array<i32>} : memref<128x64xf32, #tpu.memory_space<vmem>>, vector<16xf32>,
        %add3A_203 = arith.addf %get3A_199, %get3A_202 : vector<16xf32>
        %mul3A_204 = arith.constant 2.000000e-01 : f32
        %mul3A_205 = vector.broadcast %mul3A_204 : f32 to vector<16xf32>
        %mul3A_206 = arith.mulf %mul3A_205, %add3A_203 : vector<16xf32>
        %max3A_207 = arith.maximumf %add3A_203, %mul3A_206 : vector<16xf32>
        %mul3A_208 = arith.mulf %max3A_207, %get3A_51 : vector<16xf32>
        %xor3A_209 = arith.constant 1 : i32
        %xor3A_210 = vector.broadcast %xor3A_209 : i32 to vector<16xi32>
        %xor3A_211 = arith.xori %iota3A, %xor3A_210 : vector<16xi32>
        %broadcast_in_dim3A_212 = vector.shape_cast %xor3A_211 : vector<16xi32> to vector<16x1xi32>
        %gather3A_213 = vector.shape_cast %broadcast_in_dim3A_212 : vector<16x1xi32> to vector<16xi32>
        %gather3A_214 = tpu.dynamic_gather %mul3A_208[%gather3A_213] in [0] : vector<16xf32>, vector<16xi32> -> vector<16xf32>
        %add3A_215 = arith.addf %mul3A_208, %gather3A_214 : vector<16xf32>
        %xor3A_216 = arith.constant 2 : i32
        %xor3A_217 = vector.broadcast %xor3A_216 : i32 to vector<16xi32>
        %xor3A_218 = arith.xori %iota3A, %xor3A_217 : vector<16xi32>
        %broadcast_in_dim3A_219 = vector.shape_cast %xor3A_218 : vector<16xi32> to vector<16x1xi32>
        %gather3A_220 = vector.shape_cast %broadcast_in_dim3A_219 : vector<16x1xi32> to vector<16xi32>
        %gather3A_221 = tpu.dynamic_gather %add3A_215[%gather3A_220] in [0] : vector<16xf32>, vector<16xi32> -> vector<16xf32>
        %add3A_222 = arith.addf %add3A_215, %gather3A_221 : vector<16xf32>
        %xor3A_223 = arith.constant 4 : i32
        %xor3A_224 = vector.broadcast %xor3A_223 : i32 to vector<16xi32>
        %xor3A_225 = arith.xori %iota3A, %xor3A_224 : vector<16xi32>
        %broadcast_in_dim3A_226 = vector.shape_cast %xor3A_225 : vector<16xi32> to vector<16x1xi32>
        %gather3A_227 = vector.shape_cast %broadcast_in_dim3A_226 : vector<16x1xi32> to vector<16xi32>
        %gather3A_228 = tpu.dynamic_gather %add3A_222[%gather3A_227] in [0] : vector<16xf32>, vector<16xi32> -> vector<16xf32>
        %add3A_229 = arith.addf %add3A_222, %gather3A_228 : vector<16xf32>
        %exp3A_230 = math.exp %add3A_229 : vector<16xf32>
        %mul3A_231 = arith.mulf %get3A_199, %exp3A_230 : vector<16xf32>
        %swap3A_232 = arith.index_cast %add3A_87 : i32 to index
        %swap3A_233 = arith.constant 48 : index
        %swap3A_234 = tpu.vector_load %arg13[%swap3A_232, %swap3A_233] {strides = array<i32>} : memref<128x80xf32, #tpu.memory_space<vmem>>, vector<16xf32>,
        tpu.vector_store %arg13[%swap3A_232, %swap3A_233], %mul3A_231 {strides = array<i32>} : memref<128x80xf32, #tpu.memory_space<vmem>>, vector<16xf32>,
        %broadcast_in_dim3A_235 = vector.shape_cast %mul3A_9 : vector<16xi32> to vector<16x1xi32>
        %gather3A_236 = vector.shape_cast %broadcast_in_dim3A_235 : vector<16x1xi32> to vector<16xi32>
        %gather3A_237 = tpu.dynamic_gather %exp3A[%gather3A_236] in [0] : vector<16xf32>, vector<16xi32> -> vector<16xf32>
        %mul3A_238 = arith.mulf %gather3A_237, %convert_element_type3A_20 : vector<16xf32>
        %add3A_239 = arith.addf %broadcast_in_dim3A_10, %mul3A_238 : vector<16xf32>
        %broadcast_in_dim3A_240 = vector.shape_cast %mul3A_9 : vector<16xi32> to vector<16x1xi32>
        %gather3A_241 = vector.shape_cast %broadcast_in_dim3A_240 : vector<16x1xi32> to vector<16xi32>
        %gather3A_242 = tpu.dynamic_gather %exp3A_154[%gather3A_241] in [0] : vector<16xf32>, vector<16xi32> -> vector<16xf32>
        %mul3A_243 = arith.mulf %gather3A_242, %convert_element_type3A_28 : vector<16xf32>
        %add3A_244 = arith.addf %add3A_239, %mul3A_243 : vector<16xf32>
        %broadcast_in_dim3A_245 = vector.shape_cast %mul3A_9 : vector<16xi32> to vector<16x1xi32>
        %gather3A_246 = vector.shape_cast %broadcast_in_dim3A_245 : vector<16x1xi32> to vector<16xi32>
        %gather3A_247 = tpu.dynamic_gather %exp3A_192[%gather3A_246] in [0] : vector<16xf32>, vector<16xi32> -> vector<16xf32>
        %mul3A_248 = arith.mulf %gather3A_247, %convert_element_type3A_36 : vector<16xf32>
        %add3A_249 = arith.addf %add3A_244, %mul3A_248 : vector<16xf32>
        %broadcast_in_dim3A_250 = vector.shape_cast %mul3A_9 : vector<16xi32> to vector<16x1xi32>
        %gather3A_251 = vector.shape_cast %broadcast_in_dim3A_250 : vector<16x1xi32> to vector<16xi32>
        %gather3A_252 = tpu.dynamic_gather %exp3A_230[%gather3A_251] in [0] : vector<16xf32>, vector<16xi32> -> vector<16xf32>
        %mul3A_253 = arith.mulf %gather3A_252, %convert_element_type3A_44 : vector<16xf32>
        %add3A_254 = arith.addf %add3A_249, %mul3A_253 : vector<16xf32>
        %swap3A_255 = arith.index_cast %add3A_87 : i32 to index
        %swap3A_256 = arith.constant 64 : index
        %swap3A_257 = tpu.vector_load %arg13[%swap3A_255, %swap3A_256] {strides = array<i32>} : memref<128x80xf32, #tpu.memory_space<vmem>>, vector<16xf32>,
        tpu.vector_store %arg13[%swap3A_255, %swap3A_256], %add3A_254 {strides = array<i32>} : memref<128x80xf32, #tpu.memory_space<vmem>>, vector<16xf32>,
      }
      %scan3A_82 = arith.constant 128 : i32
      "tpu.region"() ({
        %run_scoped3A = tpu.sem_alloc : memref<!tpu.dma_semaphore, #tpu.memory_space<semaphore_mem>>
        %dma_start3A_83 = arith.constant 0 : i32
        %dma_start3A_84 = arith.constant 0 : i32
        %dma_start3A_85 = tpu.memref_slice %arg15[%dma_start3A_83, %dma_start3A_84] : memref<10240x80xf32, #tpu.memory_space<vmem_shared>> -> memref<10240x80xf32, #tpu.memory_space<vmem_shared>>
        tpu.enqueue_indirect_dma source(%arg13 : memref<128x80xf32, #tpu.memory_space<vmem>>) target(%dma_start3A_85 : memref<10240x80xf32, #tpu.memory_space<vmem_shared>>) offsets(%arg10 : memref<128xi32, #tpu.memory_space<vmem>>) semaphore(%run_scoped3A : memref<!tpu.dma_semaphore, #tpu.memory_space<semaphore_mem>>) {add = true}
        %dma_wait3A_86 = arith.constant 0 : i32
        %dma_wait3A_87 = arith.constant 0 : i32
        %dma_wait3A_88 = tpu.memref_slice %arg15[%dma_wait3A_86, %dma_wait3A_87] : memref<10240x80xf32, #tpu.memory_space<vmem_shared>> -> memref<10240x80xf32, #tpu.memory_space<vmem_shared>>
        tpu.wait_indirect_dma semaphore(%run_scoped3A : memref<!tpu.dma_semaphore, #tpu.memory_space<semaphore_mem>>) src(%arg13 : memref<128x80xf32, #tpu.memory_space<vmem>>) dst(%dma_wait3A_88 : memref<10240x80xf32, #tpu.memory_space<vmem_shared>>)
        tpu.yield
      }) : () -> ()
    }
    %scan3A_60 = arith.constant 81 : i32
    %barrier3A_61 = arith.constant 0 : index
    tpu.barrier barrier_id(%barrier3A_61)
    "tpu.region"() ({
      %run_scoped3A = tpu.sem_alloc : memref<!tpu.dma_semaphore, #tpu.memory_space<semaphore_mem>>
      %dma_start3A = arith.constant 0 : i32
      %dma_start3A_62 = tpu.memref_slice %arg8[%arg0, %mul3A_4, %dma_start3A] : memref<2x10240x80xf32, #tpu.memory_space<hbm>> -> memref<1x640x80xf32, #tpu.memory_space<hbm>>
      %dma_start3A_63 = tpu.memref_squeeze %dma_start3A_62 : memref<1x640x80xf32, #tpu.memory_space<hbm>> -> memref<640x80xf32, #tpu.memory_space<hbm>>
      %dma_start3A_64 = arith.constant 0 : i32
      %dma_start3A_65 = tpu.memref_slice %arg15[%mul3A_4, %dma_start3A_64] : memref<10240x80xf32, #tpu.memory_space<vmem_shared>> -> memref<640x80xf32, #tpu.memory_space<vmem_shared>>
      tpu.enqueue_dma source(%dma_start3A_65 : memref<640x80xf32, #tpu.memory_space<vmem_shared>>) target(%dma_start3A_63 : memref<640x80xf32, #tpu.memory_space<hbm>>) target_semaphore(%run_scoped3A : memref<!tpu.dma_semaphore, #tpu.memory_space<semaphore_mem>>)
      %dma_wait3A = arith.constant 0 : i32
      %dma_wait3A_66 = tpu.memref_slice %arg8[%arg0, %mul3A_4, %dma_wait3A] : memref<2x10240x80xf32, #tpu.memory_space<hbm>> -> memref<1x640x80xf32, #tpu.memory_space<hbm>>
      %dma_wait3A_67 = tpu.memref_squeeze %dma_wait3A_66 : memref<1x640x80xf32, #tpu.memory_space<hbm>> -> memref<640x80xf32, #tpu.memory_space<hbm>>
      %dma_wait3A_68 = arith.constant 0 : i32
      %dma_wait3A_69 = tpu.memref_slice %arg15[%mul3A_4, %dma_wait3A_68] : memref<10240x80xf32, #tpu.memory_space<vmem_shared>> -> memref<640x80xf32, #tpu.memory_space<vmem_shared>>
      tpu.wait_dma2 semaphore(%run_scoped3A : memref<!tpu.dma_semaphore, #tpu.memory_space<semaphore_mem>>) src(%dma_wait3A_69 : memref<640x80xf32, #tpu.memory_space<vmem_shared>>) dst(%dma_wait3A_67 : memref<640x80xf32, #tpu.memory_space<hbm>>)
      tpu.yield
    }) : () -> ()
    return
  }
}

module attributes {stable_mosaic.version = 14 : i64} {
  func.func @_proj_body(%arg0: memref<10016x128xf32, #tpu.memory_space<vmem>>, %arg1: memref<128x64xf32, #tpu.memory_space<vmem>>, %arg2: memref<128x64xf32, #tpu.memory_space<vmem>>, %arg3: memref<10016x64xf32, #tpu.memory_space<vmem>>, %arg4: memref<10016x64xf32, #tpu.memory_space<vmem>>) attributes {dimension_semantics = [], scalar_prefetch = 0 : i64, scratch_operands = 0 : i64, tpu.core_type = #tpu.core_type<tc>} {
    %get3A = arith.constant 0 : index
    %get3A_0 = arith.constant 0 : index
    %get3A_1 = vector.load %arg0[%get3A, %get3A_0] : memref<10016x128xf32, #tpu.memory_space<vmem>>, vector<10016x128xf32>
    %get3A_2 = arith.constant 0 : index
    %get3A_3 = arith.constant 0 : index
    %get3A_4 = vector.load %arg1[%get3A_2, %get3A_3] : memref<128x64xf32, #tpu.memory_space<vmem>>, vector<128x64xf32>
    %dot_general3A = arith.constant dense<0.000000e+00> : vector<10016x64xf32>
    %dot_general3A_5 = tpu.matmul %get3A_1, %get3A_4, %dot_general3A {dimension_numbers = #tpu.dot_dimension_numbers<[1], [0], [0], [1], [0, 0, 1, 1], [], []>, precision = #tpu.contract_precision<fp32>, transpose_lhs_hint = false} : vector<10016x128xf32>, vector<128x64xf32>, vector<10016x64xf32> -> vector<10016x64xf32>
    %swap3A = arith.constant 0 : index
    %swap3A_6 = arith.constant 0 : index
    %swap3A_7 = vector.load %arg3[%swap3A, %swap3A_6] : memref<10016x64xf32, #tpu.memory_space<vmem>>, vector<10016x64xf32>
    tpu.vector_store %arg3[%swap3A, %swap3A_6], %dot_general3A_5 {strides = array<i32>} : memref<10016x64xf32, #tpu.memory_space<vmem>>, vector<10016x64xf32>,
    %get3A_8 = arith.constant 0 : index
    %get3A_9 = arith.constant 0 : index
    %get3A_10 = vector.load %arg2[%get3A_8, %get3A_9] : memref<128x64xf32, #tpu.memory_space<vmem>>, vector<128x64xf32>
    %dot_general3A_11 = arith.constant dense<0.000000e+00> : vector<10016x64xf32>
    %dot_general3A_12 = tpu.matmul %get3A_1, %get3A_10, %dot_general3A_11 {dimension_numbers = #tpu.dot_dimension_numbers<[1], [0], [0], [1], [0, 0, 1, 1], [], []>, precision = #tpu.contract_precision<fp32>, transpose_lhs_hint = false} : vector<10016x128xf32>, vector<128x64xf32>, vector<10016x64xf32> -> vector<10016x64xf32>
    %swap3A_13 = arith.constant 0 : index
    %swap3A_14 = arith.constant 0 : index
    %swap3A_15 = vector.load %arg4[%swap3A_13, %swap3A_14] : memref<10016x64xf32, #tpu.memory_space<vmem>>, vector<10016x64xf32>
    tpu.vector_store %arg4[%swap3A_13, %swap3A_14], %dot_general3A_12 {strides = array<i32>} : memref<10016x64xf32, #tpu.memory_space<vmem>>, vector<10016x64xf32>,
    return
  }
}

module attributes {stable_mosaic.version = 14 : i64} {
  func.func @_norm1_body(%arg0: memref<2x10240x80xf32, #tpu.memory_space<vmem>>, %arg1: memref<8x64xf32, #tpu.memory_space<vmem>>, %arg2: memref<1x64xf32, #tpu.memory_space<vmem>>, %arg3: memref<64x16xf32, #tpu.memory_space<vmem>>, %arg4: memref<64x16xf32, #tpu.memory_space<vmem>>, %arg5: memref<10240x16xf32, #tpu.memory_space<vmem>>, %arg6: memref<10240x16xf32, #tpu.memory_space<vmem>>) attributes {dimension_semantics = [], scalar_prefetch = 0 : i64, scratch_operands = 0 : i64, tpu.core_type = #tpu.core_type<tc>} {
    %get3A = arith.constant 0 : index
    %get3A_0 = arith.constant 0 : index
    %get3A_1 = arith.constant 0 : index
    %get3A_2 = vector.load %arg0[%get3A, %get3A_0, %get3A_1] : memref<2x10240x80xf32, #tpu.memory_space<vmem>>, vector<1x10240x80xf32>
    %get3A_3 = vector.shape_cast %get3A_2 : vector<1x10240x80xf32> to vector<10240x80xf32>
    %get3A_4 = arith.constant 1 : index
    %get3A_5 = arith.constant 0 : index
    %get3A_6 = arith.constant 0 : index
    %get3A_7 = vector.load %arg0[%get3A_4, %get3A_5, %get3A_6] : memref<2x10240x80xf32, #tpu.memory_space<vmem>>, vector<1x10240x80xf32>
    %get3A_8 = vector.shape_cast %get3A_7 : vector<1x10240x80xf32> to vector<10240x80xf32>
    %add3A = arith.addf %get3A_3, %get3A_8 : vector<10240x80xf32>
    %slice3A = vector.extract_strided_slice %add3A {offsets = [0, 0], sizes = [10240, 64], strides = [1, 1]} : vector<10240x80xf32> to vector<10240x64xf32>
    %slice3A_9 = vector.extract_strided_slice %add3A {offsets = [0, 64], sizes = [10240, 8], strides = [1, 1]} : vector<10240x80xf32> to vector<10240x8xf32>
    %get3A_10 = arith.constant 0 : index
    %get3A_11 = arith.constant 0 : index
    %get3A_12 = vector.load %arg1[%get3A_10, %get3A_11] : memref<8x64xf32, #tpu.memory_space<vmem>>, vector<8x64xf32>
    %dot_general3A = arith.constant dense<0.000000e+00> : vector<10240x64xf32>
    %dot_general3A_13 = tpu.matmul %slice3A_9, %get3A_12, %dot_general3A {dimension_numbers = #tpu.dot_dimension_numbers<[1], [0], [0], [1], [0, 0, 1, 1], [], []>, precision = #tpu.contract_precision<fp32>, transpose_lhs_hint = false} : vector<10240x8xf32>, vector<8x64xf32>, vector<10240x64xf32> -> vector<10240x64xf32>
    %add3A_14 = arith.constant 1.000000e-16 : f32
    %add3A_15 = vector.broadcast %add3A_14 : f32 to vector<10240x64xf32>
    %add3A_16 = arith.addf %dot_general3A_13, %add3A_15 : vector<10240x64xf32>
    %div3A = arith.divf %slice3A, %add3A_16 : vector<10240x64xf32>
    %get3A_17 = arith.constant 0 : index
    %get3A_18 = arith.constant 0 : index
    %get3A_19 = vector.load %arg2[%get3A_17, %get3A_18] : memref<1x64xf32, #tpu.memory_space<vmem>>, vector<1x64xf32>
    %add3A_20 = vector.broadcast %get3A_19 : vector<1x64xf32> to vector<10240x64xf32>
    %add3A_21 = arith.addf %div3A, %add3A_20 : vector<10240x64xf32>
    %gt3A = arith.constant 0.000000e+00 : f32
    %gt3A_22 = vector.broadcast %gt3A : f32 to vector<10240x64xf32>
    %gt3A_23 = arith.cmpf ogt, %add3A_21, %gt3A_22 : vector<10240x64xf32>
    %min3A = arith.constant 0.000000e+00 : f32
    %min3A_24 = vector.broadcast %min3A : f32 to vector<10240x64xf32>
    %min3A_25 = arith.minimumf %add3A_21, %min3A_24 : vector<10240x64xf32>
    %exp3A = math.exp %min3A_25 : vector<10240x64xf32>
    %sub3A = arith.constant 1.000000e+00 : f32
    %sub3A_26 = vector.broadcast %sub3A : f32 to vector<10240x64xf32>
    %sub3A_27 = arith.subf %exp3A, %sub3A_26 : vector<10240x64xf32>
    %select_n3A = arith.select %gt3A_23, %add3A_21, %sub3A_27 : vector<10240x64xi1>, vector<10240x64xf32>
    %iota3A = tpu.iota {dimensions = array<i32: 0>} : vector<10240x1xi32>
    %lt3A = arith.constant 10000 : i32
    %lt3A_28 = vector.broadcast %lt3A : i32 to vector<10240x1xi32>
    %lt3A_29 = arith.cmpi slt, %iota3A, %lt3A_28 : vector<10240x1xi32>
    %convert_element_type3A = arith.extui %lt3A_29 : vector<10240x1xi1> to vector<10240x1xi32>
    %convert_element_type3A_30 = arith.sitofp %convert_element_type3A : vector<10240x1xi32> to vector<10240x1xf32>
    %mul3A = vector.broadcast %convert_element_type3A_30 : vector<10240x1xf32> to vector<10240x64xf32>
    %mul3A_31 = arith.mulf %select_n3A, %mul3A : vector<10240x64xf32>
    %get3A_32 = arith.constant 0 : index
    %get3A_33 = arith.constant 0 : index
    %get3A_34 = vector.load %arg3[%get3A_32, %get3A_33] : memref<64x16xf32, #tpu.memory_space<vmem>>, vector<64x16xf32>
    %dot_general3A_35 = arith.constant dense<0.000000e+00> : vector<10240x16xf32>
    %dot_general3A_36 = tpu.matmul %mul3A_31, %get3A_34, %dot_general3A_35 {dimension_numbers = #tpu.dot_dimension_numbers<[1], [0], [0], [1], [0, 0, 1, 1], [], []>, precision = #tpu.contract_precision<fp32>, transpose_lhs_hint = false} : vector<10240x64xf32>, vector<64x16xf32>, vector<10240x16xf32> -> vector<10240x16xf32>
    %swap3A = arith.constant 0 : index
    %swap3A_37 = arith.constant 0 : index
    %swap3A_38 = vector.load %arg5[%swap3A, %swap3A_37] : memref<10240x16xf32, #tpu.memory_space<vmem>>, vector<10240x16xf32>
    tpu.vector_store %arg5[%swap3A, %swap3A_37], %dot_general3A_36 {strides = array<i32>} : memref<10240x16xf32, #tpu.memory_space<vmem>>, vector<10240x16xf32>,
    %get3A_39 = arith.constant 0 : index
    %get3A_40 = arith.constant 0 : index
    %get3A_41 = vector.load %arg4[%get3A_39, %get3A_40] : memref<64x16xf32, #tpu.memory_space<vmem>>, vector<64x16xf32>
    %dot_general3A_42 = arith.constant dense<0.000000e+00> : vector<10240x16xf32>
    %dot_general3A_43 = tpu.matmul %mul3A_31, %get3A_41, %dot_general3A_42 {dimension_numbers = #tpu.dot_dimension_numbers<[1], [0], [0], [1], [0, 0, 1, 1], [], []>, precision = #tpu.contract_precision<fp32>, transpose_lhs_hint = false} : vector<10240x64xf32>, vector<64x16xf32>, vector<10240x16xf32> -> vector<10240x16xf32>
    %swap3A_44 = arith.constant 0 : index
    %swap3A_45 = arith.constant 0 : index
    %swap3A_46 = vector.load %arg6[%swap3A_44, %swap3A_45] : memref<10240x16xf32, #tpu.memory_space<vmem>>, vector<10240x16xf32>
    tpu.vector_store %arg6[%swap3A_44, %swap3A_45], %dot_general3A_43 {strides = array<i32>} : memref<10240x16xf32, #tpu.memory_space<vmem>>, vector<10240x16xf32>,
    return
  }
}

module attributes {stable_mosaic.version = 14 : i64} {
  func.func @_final_body(%arg0: memref<2x10240x32xf32, #tpu.memory_space<vmem>>, %arg1: memref<1x16xf32, #tpu.memory_space<vmem>>, %arg2: memref<10000x1xi32, #tpu.memory_space<vmem>>, %arg3: memref<16x1xf32, #tpu.memory_space<vmem>>, %arg4: memref<1x1xf32, #tpu.memory_space<vmem>>, %arg5: memref<64x16xf32, #tpu.memory_space<vmem>>, %arg6: memref<64x1xf32, #tpu.memory_space<vmem>>) attributes {dimension_semantics = [], scalar_prefetch = 0 : i64, scratch_operands = 0 : i64, tpu.core_type = #tpu.core_type<tc>} {
    %get3A = arith.constant 0 : index
    %get3A_0 = arith.constant 0 : index
    %get3A_1 = arith.constant 0 : index
    %get3A_2 = vector.load %arg0[%get3A, %get3A_0, %get3A_1] : memref<2x10240x32xf32, #tpu.memory_space<vmem>>, vector<1x10240x32xf32>
    %get3A_3 = vector.shape_cast %get3A_2 : vector<1x10240x32xf32> to vector<10240x32xf32>
    %get3A_4 = arith.constant 1 : index
    %get3A_5 = arith.constant 0 : index
    %get3A_6 = arith.constant 0 : index
    %get3A_7 = vector.load %arg0[%get3A_4, %get3A_5, %get3A_6] : memref<2x10240x32xf32, #tpu.memory_space<vmem>>, vector<1x10240x32xf32>
    %get3A_8 = vector.shape_cast %get3A_7 : vector<1x10240x32xf32> to vector<10240x32xf32>
    %add3A = arith.addf %get3A_3, %get3A_8 : vector<10240x32xf32>
    %slice3A = vector.extract_strided_slice %add3A {offsets = [0, 0], sizes = [10240, 16], strides = [1, 1]} : vector<10240x32xf32> to vector<10240x16xf32>
    %slice3A_9 = vector.extract_strided_slice %add3A {offsets = [0, 16], sizes = [10240, 1], strides = [1, 1]} : vector<10240x32xf32> to vector<10240x1xf32>
    %add3A_10 = arith.constant 1.000000e-16 : f32
    %add3A_11 = vector.broadcast %add3A_10 : f32 to vector<10240x1xf32>
    %add3A_12 = arith.addf %slice3A_9, %add3A_11 : vector<10240x1xf32>
    %div3A = vector.broadcast %add3A_12 : vector<10240x1xf32> to vector<10240x16xf32>
    %div3A_13 = arith.divf %slice3A, %div3A : vector<10240x16xf32>
    %get3A_14 = arith.constant 0 : index
    %get3A_15 = arith.constant 0 : index
    %get3A_16 = vector.load %arg1[%get3A_14, %get3A_15] : memref<1x16xf32, #tpu.memory_space<vmem>>, vector<1x16xf32>
    %add3A_17 = vector.broadcast %get3A_16 : vector<1x16xf32> to vector<10240x16xf32>
    %add3A_18 = arith.addf %div3A_13, %add3A_17 : vector<10240x16xf32>
    %slice3A_19 = vector.extract_strided_slice %add3A_18 {offsets = [0, 0], sizes = [10000, 16], strides = [1, 1]} : vector<10240x16xf32> to vector<10000x16xf32>
    %iota3A = tpu.iota {dimensions = array<i32: 1>} : vector<10000x64xi32>
    %get3A_20 = arith.constant 0 : index
    %get3A_21 = arith.constant 0 : index
    %get3A_22 = vector.load %arg2[%get3A_20, %get3A_21] : memref<10000x1xi32, #tpu.memory_space<vmem>>, vector<10000x1xi32>
    %eq3A = vector.broadcast %get3A_22 : vector<10000x1xi32> to vector<10000x64xi32>
    %eq3A_23 = arith.cmpi eq, %eq3A, %iota3A : vector<10000x64xi32>
    %convert_element_type3A = arith.extui %eq3A_23 : vector<10000x64xi1> to vector<10000x64xi32>
    %convert_element_type3A_24 = arith.sitofp %convert_element_type3A : vector<10000x64xi32> to vector<10000x64xf32>
    %dot_general3A = arith.constant dense<0.000000e+00> : vector<64x16xf32>
    %dot_general3A_25 = tpu.matmul %convert_element_type3A_24, %slice3A_19, %dot_general3A {dimension_numbers = #tpu.dot_dimension_numbers<[0], [0], [1], [1], [0, 1, 1, 1], [], []>, precision = #tpu.contract_precision<fp32>, transpose_lhs_hint = false} : vector<10000x64xf32>, vector<10000x16xf32>, vector<64x16xf32> -> vector<64x16xf32>
    %reduce_sum3A = arith.constant dense<0.000000e+00> : vector<64xf32>
    %reduce_sum3A_26 = vector.multi_reduction <add>, %convert_element_type3A_24, %reduce_sum3A [0] : vector<10000x64xf32> to vector<64xf32>
    %broadcast_in_dim3A = vector.shape_cast %reduce_sum3A_26 : vector<64xf32> to vector<64x1xf32>
    %max3A = arith.constant 1.000000e+00 : f32
    %max3A_27 = vector.broadcast %max3A : f32 to vector<64x1xf32>
    %max3A_28 = arith.maximumf %broadcast_in_dim3A, %max3A_27 : vector<64x1xf32>
    %div3A_29 = vector.broadcast %max3A_28 : vector<64x1xf32> to vector<64x16xf32>
    %div3A_30 = arith.divf %dot_general3A_25, %div3A_29 : vector<64x16xf32>
    %swap3A = arith.constant 0 : index
    %swap3A_31 = arith.constant 0 : index
    %swap3A_32 = vector.load %arg5[%swap3A, %swap3A_31] : memref<64x16xf32, #tpu.memory_space<vmem>>, vector<64x16xf32>
    tpu.vector_store %arg5[%swap3A, %swap3A_31], %div3A_30 {strides = array<i32>} : memref<64x16xf32, #tpu.memory_space<vmem>>, vector<64x16xf32>,
    %get3A_33 = arith.constant 0 : index
    %get3A_34 = arith.constant 0 : index
    %get3A_35 = vector.load %arg3[%get3A_33, %get3A_34] : memref<16x1xf32, #tpu.memory_space<vmem>>, vector<16x1xf32>
    %dot_general3A_36 = arith.constant dense<0.000000e+00> : vector<64x1xf32>
    %dot_general3A_37 = tpu.matmul %div3A_30, %get3A_35, %dot_general3A_36 {dimension_numbers = #tpu.dot_dimension_numbers<[1], [0], [0], [1], [0, 0, 1, 1], [], []>, precision = #tpu.contract_precision<fp32>, transpose_lhs_hint = false} : vector<64x16xf32>, vector<16x1xf32>, vector<64x1xf32> -> vector<64x1xf32>
    %get3A_38 = arith.constant 0 : index
    %get3A_39 = arith.constant 0 : index
    %get3A_40 = vector.load %arg4[%get3A_38, %get3A_39] : memref<1x1xf32, #tpu.memory_space<vmem>>, vector<1x1xf32>
    %add3A_41 = vector.broadcast %get3A_40 : vector<1x1xf32> to vector<64x1xf32>
    %add3A_42 = arith.addf %dot_general3A_37, %add3A_41 : vector<64x1xf32>
    %swap3A_43 = arith.constant 0 : index
    %swap3A_44 = arith.constant 0 : index
    %swap3A_45 = vector.load %arg6[%swap3A_43, %swap3A_44] : memref<64x1xf32, #tpu.memory_space<vmem>>, vector<64x1xf32>
    tpu.vector_store %arg6[%swap3A_43, %swap3A_44], %add3A_42 {strides = array<i32>} : memref<64x1xf32, #tpu.memory_space<vmem>>, vector<64x1xf32>,
    return
  }
}

</mosaic_0001>

<sc_bundles>
// kernel: kernel.10.cloned.1.call-start
scs
__scs_entry_jumppad:
0x0: {  	(pc) =	sbr.rel $0x88, $3  }
0x1: {  	(tag) =	ssettag $0x0;
	lr =	simm.s32 $0x1  }
0x2: {  	[smem:$0x3F94] =	sst lr;
	_ =	strace $0xD0000000  }
0x3: {  	_ = 	snop  }
0x4: {  	_ = 	snop  }
0x5: {  	_ = 	snop  }
0x6: {  	_ = 	snop  }
0x7: {  	_ = 	snop  }
__scs_overlays_trampoline_lowered:
0x8: {  	[smem:$0x3FA3] =	sst s0  }
0x9: {  	[smem:$0x3FA4] =	sst s1  }
0xa: {  	[smem:$0x3FA5] =	sst s2  }
0xb: {  	[smem:$0x3FA6] =	sst s3  }
0xc: {  	[smem:$0x3FA7] =	sst s4  }
0xd: {  	[smem:$0x3FA8] =	sst s5  }
0xe: {  	[smem:$0x3FA9] =	sst s6  }
0xf: {  	[smem:$0x3FAA] =	sst s7  }
0x10: {  	[smem:$0x3FAB] =	sst s8  }
0x11: {  	[smem:$0x3FAC] =	sst s9;
	s0 =	simm.s32 @!p0 $0x0  }
0x12: {  	s1 =	sld [smem:$0x3F92];
	s0 =	simm.s32 @p0 $0x1  }
0x13: {  	[smem:$0x3FAD] =	sst s0;
	s0 =	simm.s32 @!p1 $0x0  }
0x14: {  	s2 =	sld [smem:$0x3F91];
	s0 =	simm.s32 @p1 $0x1  }
0x15: {  	[smem:$0x3FAE] =	sst s0;
	s0 =	simm.s32 @!p2 $0x0  }
0x16: {  	s3 =	sld [smem:$0x3FDB];
	s0 =	simm.s32 @p2 $0x1  }
0x17: {  	s4 =	simm.s32 $0x1BF5;
	[smem:$0x3FB0] =	sst s0  }
0x18: {  	s0 =	sld [smem:$0x3F93];
	_ =	swait.ge [sflag:s4], $0x0  }
0x19: {  	s7 =	sld [smem:$0x3F94]  }
0x1a: {  	s8 =	sadd.s32 $0xFFFFE003, lr  }
0x1b: {  	s9 =	sadd.s32 $0xFFFFFEF7, lr;
	s5 =	simm.s32 $0xFFFFFFFF;
	p2 =	slt.u32 s8, $0xFFFFF086  }
0x1c: {  	p1 =	slt.u32 s9, $0xF7A;
	s5 =	simm.s32 @!p2 $0x0  }
0x1d: {  	s5 =	simm.s32 @p1 $0x1;
	p0 =	seq.s32 s7, s2  }
0x1e: {  	s7 =	smul.u32 @!p0 $0xF7A, s2;
	p2 =	seq.s32 @!p0 s5, $0x0  }
0x1f: {  	s9 =	smul.u32 $0xF7A, s1;
	s8 =	simm.s32 @!p0 $0x1BF5;
	p2 =	por !p2, p0  }
0x20: {  	[sflag:s8] =	ssyncset.s32 @!p0 $0xFFFFF086;
	s6 =	sadd.s32 @!p0 s3, s7;
	s7 =	simm.s32 @!p0 $0x108  }
0x21: {  	s3 =	sadd.s32 s3, s9;
	s6 =	sadd.s32 @!p0 $0x88, s6;
	s7 =	simm.s32 @p2 $0x1082  }
0x22: {  	[simem:s7], [sflag:s8] =	dma.local @!p0 [hbm:s6], $0xF7A  }
0x23: {  	s9 =	sor.u32 $0xD0000000, s2;
	s6 =	simm.s32 $0x108;
	_ =	swait.ge @!p0 [sflag:s8], $0x0  }
0x24: {  	s3 =	sadd.s32 $0x88, s3;
	s6 =	simm.s32 @!p1 $0x1082;
	[sflag:s4] =	ssyncset.s32 $0xFFFFF086  }
0x25: {  	[simem:s6], [sflag:s4] =	dma.local [hbm:s3], $0xF7A  }
0x26: {  	[smem:$0x3F94] =	sst s1;
	(tag) =	ssettag s2;
	_ =	strace s9  }
0x27: {  	s1 =	sld [smem:$0x3FA4]  }
0x28: {  	s2 =	sld [smem:$0x3FA5]  }
0x29: {  	s4 =	sld [smem:$0x3FA7]  }
0x2a: {  	p0 =	seq.s32 s5, $0x0;
	s5 =	sld [smem:$0x3FA8]  }
0x2b: {  	s6 =	sld [smem:$0x3FA9]  }
0x2c: {  	s7 =	sld [smem:$0x3FAA]  }
0x2d: {  	s3 =	simm.s32 $0x108;
	s8 =	sld [smem:$0x3FAB]  }
0x2e: {  	s3 =	simm.s32 @!p0 $0x1082;
	s9 =	sld [smem:$0x3FAC]  }
0x2f: {  	lr =	sadd.s32 s0, s3;
	s0 =	sld [smem:$0x3FA3]  }
0x30: {  	s3 =	sld [smem:$0x3FA6]  }
0x31: {  	[smem:$0x3FAF] =	sst s10  }
0x32: {  	s10 =	sld [smem:$0x3FAD];
	_ =	sdelay $0x3  }
0x33: {  	p0 =	seq.s32 s10, $0x1;
	s10 =	sld [smem:$0x3FAF];
	_ =	sdelay $0x3  }
0x34: {  	[smem:$0x3FAF] =	sst s10  }
0x35: {  	s10 =	sld [smem:$0x3FAE];
	_ =	sdelay $0x3  }
0x36: {  	p1 =	seq.s32 s10, $0x1;
	s10 =	sld [smem:$0x3FAF];
	_ =	sdelay $0x3  }
0x37: {  	[smem:$0x3FAF] =	sst s10  }
0x38: {  	s10 =	sld [smem:$0x3FB0]  }
0x39: {  	_ = 	snop;
	(pc) =	sbr.ind lr, $3  }
0x3a: {  	_ = 	snop  }
0x3b: {  	_ = 	snop  }
0x3c: {  	p2 =	seq.s32 s10, $0x1;
	s10 =	sld [smem:$0x3FAF]  }
0x3d: {  	_ =	shalt  }
0x3e: {  	_ =	shalt  }
0x3f: {  	_ =	shalt  }
0x40: {  	_ =	shalt  }
0x41: {  	_ =	shalt  }
0x42: {  	_ =	shalt  }
0x43: {  	_ =	shalt  }
0x44: {  	_ =	shalt  }
0x45: {  	_ =	shalt  }
0x46: {  	_ =	shalt  }
0x47: {  	_ =	shalt  }
0x48: {  	_ =	shalt  }
0x49: {  	_ =	shalt  }
0x4a: {  	_ =	shalt  }
0x4b: {  	_ =	shalt  }
0x4c: {  	_ =	shalt  }
0x4d: {  	_ =	shalt  }
0x4e: {  	_ =	shalt  }
0x4f: {  	_ =	shalt  }
0x50: {  	_ =	shalt  }
0x51: {  	_ =	shalt  }
0x52: {  	_ =	shalt  }
0x53: {  	_ =	shalt  }
0x54: {  	_ =	shalt  }
0x55: {  	_ =	shalt  }
0x56: {  	_ =	shalt  }
0x57: {  	_ =	shalt  }
0x58: {  	_ =	shalt  }
0x59: {  	_ =	shalt  }
0x5a: {  	_ =	shalt  }
0x5b: {  	_ =	shalt  }
0x5c: {  	_ =	shalt  }
0x5d: {  	_ =	shalt  }
0x5e: {  	_ =	shalt  }
0x5f: {  	_ =	shalt  }
0x60: {  	_ =	shalt  }
0x61: {  	_ =	shalt  }
0x62: {  	_ =	shalt  }
0x63: {  	_ =	shalt  }
0x64: {  	_ =	shalt  }
0x65: {  	_ =	shalt  }
0x66: {  	_ =	shalt  }
0x67: {  	_ =	shalt  }
0x68: {  	_ =	shalt  }
0x69: {  	_ =	shalt  }
0x6a: {  	_ =	shalt  }
0x6b: {  	_ =	shalt  }
0x6c: {  	_ =	shalt  }
0x6d: {  	_ =	shalt  }
0x6e: {  	_ =	shalt  }
0x6f: {  	_ =	shalt  }
0x70: {  	_ =	shalt  }
0x71: {  	_ =	shalt  }
0x72: {  	_ =	shalt  }
0x73: {  	_ =	shalt  }
0x74: {  	_ =	shalt  }
0x75: {  	_ =	shalt  }
0x76: {  	_ =	shalt  }
0x77: {  	_ =	shalt  }
0x78: {  	_ =	shalt  }
0x79: {  	_ =	shalt  }
0x7a: {  	_ =	shalt  }
0x7b: {  	_ =	shalt  }
0x7c: {  	_ =	shalt  }
0x7d: {  	_ =	shalt  }
0x7e: {  	_ =	shalt  }
0x7f: {  	_ =	shalt  }
0x80: {  	_ =	shalt  }
0x81: {  	_ =	shalt  }
0x82: {  	_ =	shalt  }
0x83: {  	_ =	shalt  }
0x84: {  	_ =	shalt  }
0x85: {  	_ =	shalt  }
0x86: {  	_ =	shalt  }
0x87: {  	_ =	shalt  }
.Lfunc_end0:
.L_simem_size_0:
called_computation.1_lowered:
.L_overlay_start_0:
0x88: {  	s2 =	sld [smem:$0x3FD9]  }
0x89: {  	s3 =	sld [smem:$0x3FFE];
	_ =	sdelay $0x1  }
0x8a: {  	s1 =	srdreg.scid  }
0x8b: {  	s0 =	sand.u32 $0x1, s1  }
0x8c: {  	s17 =	sshll.u32 s0, $0xA;
	s2 =	sadd.s32 s3, s2  }
0x8d: {  	s2 =	sadd.s32 s2, s17  }
0x8e: {  	[smem:$0x3FBB] =	sst s2  }
0x8f: {  	_ = 	snop  }
0x90: {  	s2 =	sld [smem:$0x3FC0];
	(tm) =	ssettm $0x1  }
0x91: {  	s18 =	sld [smem:$0x3FFB];
	_ =	sdelay $0x3  }
0x92: {  	_ =	strace s18  }
0x93: {  	s3 =	sld [smem:$0x3FFC];
	_ =	sdelay $0x3  }
0x94: {  	_ =	strace s3  }
0x95: {  	s3 =	sld [smem:$0x3FFD];
	_ =	sdelay $0x3  }
0x96: {  	_ =	strace s3  }
0x97: {  	_ =	strace $0x8FFFFFFF  }
0x98: {  	s19 =	sld [smem:$0x3FDB];
	_ =	sdelay $0x1  }
0x99: {  	s4 =	simm.s32 $_scs_section_size  }
0x9a: {  	s5 =	simm.s32 $_size__tile_overlayer_lowered;
	s6 =	simm.s32 $_tile_overlayer_lowered  }
0x9b: {  	s22 =	simm.s32 $0x1BFF;
	s21 =	sshll.u32 s6, $0x1;
	s3 =	sadd.s32 s4, s19  }
0x9c: {  	s7 =	simm.s32 $0x0;
	s20 =	sshll.u32 s5, $0x1;
	s5 =	sadd.s32 s21, s3  }
0x9d: {  	[timem:s7], [sflag:s22] =	dma.local [hbm:s5], s20  }
0x9e: {  	_ =	swait.ge [sflag:s22], s20  }
0x9f: {  	s4 =	ssub.s32 $0x0, s20;
	[sflag:s22] =	ssyncset.done $0x0  }
0xa0: {  	[sflag:s22] =	ssyncadd.s32 s4;
	_ =	sdelay $0x1  }
0xa1: {  	s23 =	simm.s32 $0x1B8B  }
0xa2: {  	_ =	swait.ge [sflag:s23], $0x1  }
0xa3: {  	[sflag:s23] =	ssyncset.done $0x0  }
0xa4: {  	s25 =	simm.s32 $0x1B8E;
	s24 =	sld [smem:$0x3FFE];
	[sflag:s23] =	ssyncadd.s32 $0xFFFFFFFF  }
0xa5: {  	s26 =	simm.s32 $execute0_lowered;
	[smem:$0x3FD2] =	sst s25  }
0xa6: {  	s5 =	sshll.u32 s26, $0x1;
	_ =	strace $0x80000049;
	[dreg:$0x1] =	wrdreg $0xFFFFFFFF  }
0xa7: {  	s28 =	simm.s32 $_size_execute0_lowered;
	s3 =	sadd.s32 s3, s5;
	[dreg:$0x0] =	wrdreg $0x0  }
0xa8: {  	s5 =	sshll.u32 s28, $0x1;
	[dreg:$0x2] =	wrdreg s3  }
0xa9: {  	[dreg:$0x3] =	wrdreg s5  }
0xaa: {  	[dreg:$0x4] =	wrdreg $0xC0  }
0xab: {  	_ =	task [dreg:s7], $0x5FFFF  }
0xac: {  	[dreg:$0x1] =	wrdreg $0xFFFFFFFF  }
0xad: {  	[dreg:$0x0] =	wrdreg $0x60  }
0xae: {  	[dreg:$0x2] =	wrdreg s24  }
0xaf: {  	[dreg:$0x3] =	wrdreg s2  }
0xb0: {  	[dreg:$0x4] =	wrdreg $0x21100  }
0xb1: {  	[dreg:$0x5] =	wrdreg $0x9  }
0xb2: {  	_ =	task.clear_ibuf [dreg:s7], $0x6FFFF;
	_ =	strace $0x90000049  }
0xb3: {  	s29 =	simm.s32 $0x9;
	_ =	strace $0x8000004B  }
0xb4: {  	_ =	swait.ge [sflag:s29], $0x1  }
0xb5: {  	[sflag:s29] =	ssyncadd.s32 $0xFFFFFFFF  }
0xb6: {  	_ =	strace $0x9000004B  }
0xb7: {  	_ =	sfence  }
0xb8: {  	s30 =	sld [smem:$0x0];
	_ =	sdelay $0x2  }
0xb9: {  	s31 =	sshll.u32 s1, $0xD;
	s1 =	sshrl.u32 s1, $0x2  }
0xba: {  	s3 =	sand.u32 $0x4000, s31;
	s1 =	sadd.s32 s1, s30  }
0xbb: {  	s0 =	sor.u32 s3, s0;
	s1 =	sshll.u32 s1, $0x11  }
0xbc: {  	s0 =	sor.u32 s1, s0  }
0xbd: {  	s0 =	sadd.s32 $0x8F2B, s0  }
0xbe: {  	[sflag:s0] =	ssyncadd.remote.s32 $0x1  }
0xbf: {  	_ =	sfence.sel $0xFFFF  }
0xc0: {  	[dreg:$0x0] =	wrdreg $0xFFFFFFFF;
	(pc) =	sbr.abs _section_cstart, $3  }
0xc1: {  	[dreg:$0x1] =	wrdreg $0xFFFFFFFF  }
0xc2: {  	_ =	task.clear_ibuf [dreg:s7], $0x2FFFF;
	_ =	strace $0x9FFFFFFF  }
0xc3: {  	(tm) =	ssettm $0x7FFFFFFF  }
tec
execute0_lowered:
.L_overlay_start_1:
0x0: {  	(tag) =	ssettag $0x1  }
0x1: {  	s0 =	rddreg [dreg:$0x0]  }
0x2: {  	s1 =	rddreg [dreg:$0x1]  }
0x3: {  	s2 =	rddreg [dreg:$0x2];
	s3 =	srdreg.scid  }
0x4: {  	s4 =	simm.s32 $0x0;
	s15 =	stileid.u32;
	s21 =	simm.s32 $0x80  }
0x5: {  	s22 =	simm.s32 $0x100;
	s23 =	simm.s32 $0x900;
	s24 =	simm.s32 $0x1  }
0x6: {  	s28 =	simm.s32 $0x1100;
	s29 =	simm.s32 $0x0;
	s3 =	sand.u32 $0x1, s3  }
0x7: {  	v0 =	vimm.s32 $0xEFCDAB89;
	[smem:$0x7FF] =	sst s4;
	s12 =	smul.u32 $0x5000, s15;
	s5 =	sadd.s32 $0x1A800, s0  }
0x8: {  	v1 =	vimm.s32 $0x67452301;
	s6 =	sadd.s32 $0x15800, s0;
	s7 =	sadd.s32 $0xB600, s0;
	s8 =	sadd.s32 $0x1400, s0  }
0x9: {  	v2 =	vimm.s32 $0xDCFE98BA;
	v3 =	vimm.s32 $0x54761032;
	s11 =	smul.u32 $0x14000, s15;
	s13 =	sshll.u32 s15, $0x1;
	s15 =	sshll.u32 s15, $0x6  }
0xa: {  	v4 =	vimm.s32 $0xBA98FEDC;
	s9 =	smul.u32 $0x50000, s3;
	_ =	strace $0x8000004A;
	s25 =	ssub.s32 $0x2, s3  }
0xb: {  	v5 =	vimm.s32 $0xFEDCBA98;
	v6 =	vimm.s32 $0x32107654;
	v0 =	vunpack.c.l.s4.s8 v0;
	s3 =	sor.u32 s3, s13;
	s13 =	simm.s32 $0x2100;
	s15 =	sor.u32 $0x1C03, s15  }
0xc: {  	v1 =	vunpack.c.l.s4.s8 v1;
	v2 =	vunpack.c.l.s4.s8 v2;
	v3 =	vunpack.c.l.s4.s8 v3;
	s14 =	sshrl.u32 s25, $0x1;
	s11 =	sshrl.u32 s11, $0x2;
	s31 =	sadd.s32 s12, s2  }
0xd: {  	v7 =	vimm.s32 $0x76543210;
	v5 =	vunpack.c.l.s4.s8 v5;
	v0 =	vunpack.c.0.s8.s32 v0;
	s10 =	sadd.s32 s12, s9;
	s9 =	sadd.s32 $0x1F800, s0;
	s26 =	ssub.s32 s25, s14  }
0xe: {  	v1 =	vunpack.c.0.s8.s32 v1;
	v2 =	vunpack.c.0.s8.s32 v2;
	v3 =	vunpack.c.0.s8.s32 v3;
	s30 =	sadd.s32 s11, s2;
	s14 =	simm.s32 $0x3;
	s25 =	sshrl.u32 s31, $0x3  }
0xf: {  	v4 =	vunpack.c.l.s4.s8 v4;
	v6 =	vunpack.c.l.s4.s8 v6;
	v7 =	vunpack.c.l.s4.s8 v7;
	s10 =	sshrl.u32 s10, $0x3;
	s17 =	sadd.s32 $0x1000, s30;
	s12 =	smax.u32 s26, $0x1  }
0x10: {  	s18 =	sadd.s32 $0x2000, s30;
	s19 =	sadd.s32 $0x3000, s30;
	s20 =	sadd.s32 $0x4000, s30;
	v0 =	vcombine.low v1, v0;
	v1 =	vcombine.low v3, v2;
	v2 =	vunpack.c.0.s8.s32 v5  }
0x11: {  	s16 =	sshrl.u32 s30, $0x3;
	v3 =	vunpack.c.0.s8.s32 v4;
	v4 =	vunpack.c.0.s8.s32 v6;
	v5 =	vunpack.c.0.s8.s32 v7;
	s26 =	simm.s32 $0x2;
	s0 =	sadd.s32 s10, s0  }
0x12: {  	vm0 =	vcmask $0x300;
	v7 =	vimm.f32 $0.0e+00;
	s10 =	smul.u32 $0x2880, s3;
	s17 =	sshrl.u32 s17, $0x3;
	s18 =	sshrl.u32 s18, $0x3;
	v6 =	vand.u32 $0xF, v2  }
0x13: {  	s19 =	sshrl.u32 s19, $0x3;
	s20 =	sshrl.u32 s20, $0x3;
	s11 =	sadd.s32 $0x1FA00, s0;
	v2 =	vcombine.low v4, v3;
	v4 =	vsel vm0, $0x3F800000, v7;
	v3 =	vcombine.low v6, v5  }
.LBB2_1:
0x14: {  	[tilespmem:s13], [sflag:$0x3] =	stream.linear.gather [hbm4b:s1+s4], $0x10, $0x38;
	[tilespmem:$0x7110] =	vst v63  }
0x15: {  	_ =	swait.ge [sflag:s14], $0x10  }
0x16: {  	[sflag:s14] =	ssyncset.done $0x0  }
0x17: {  	[sflag:s14] =	ssyncadd.s32 $0xFFFFFFF0  }
0x18: {  	v5 =	vld [tilespmem:$0x2100];
	[spmem:s16], [sflag:s15] =	dma.local [hbm:s9], $0x200  }
0x19: {  	_ =	swait.ge [sflag:s14], $0x200  }
0x1a: {  	[sflag:s14] =	ssyncset.done $0x0  }
0x1b: {  	[sflag:s14] =	ssyncadd.s32 $0xFFFFFE00  }
0x1c: {  	[spmem:s17], [sflag:s15] =	dma.local [hbm:s9], $0x200  }
0x1d: {  	_ =	swait.ge [sflag:s14], $0x200  }
0x1e: {  	[sflag:s14] =	ssyncset.done $0x0  }
0x1f: {  	[sflag:s14] =	ssyncadd.s32 $0xFFFFFE00  }
0x20: {  	[spmem:s18], [sflag:s15] =	dma.local [hbm:s9], $0x200  }
0x21: {  	_ =	swait.ge [sflag:s14], $0x200  }
0x22: {  	[sflag:s14] =	ssyncset.done $0x0  }
0x23: {  	[sflag:s14] =	ssyncadd.s32 $0xFFFFFE00  }
0x24: {  	[spmem:s19], [sflag:s15] =	dma.local [hbm:s9], $0x200  }
0x25: {  	_ =	swait.ge [sflag:s14], $0x200  }
0x26: {  	[sflag:s14] =	ssyncset.done $0x0  }
0x27: {  	[sflag:s14] =	ssyncadd.s32 $0xFFFFFE00  }
0x28: {  	[spmem:s20], [sflag:s15] =	dma.local [hbm:s9], $0x200  }
0x29: {  	_ =	swait.ge [sflag:s14], $0x200  }
0x2a: {  	[sflag:s14] =	ssyncset.done $0x0  }
0x2b: {  	[sflag:s14] =	ssyncadd.s32 $0xFFFFFE00  }
0x2c: {  	s30 =	simm.s32 $0x0;
	[bflag:$0x0] =	sbarrier.arrive $0xFFFF  }
.LBB2_2:
0x2d: {  	s0 =	sshll.u32 s30, $0x7  }
0x2e: {  	s0 =	sadd.s32 s10, s0  }
0x2f: {  	s0 =	sshrl.u32 s0, $0x3  }
0x30: {  	s31 =	simm.s32 $0x0;
	s3 =	sadd.s32 s7, s0  }
0x31: {  	[tilespmem:s31], [sflag:$0x3] =	stream.linear.gather [hbm4b:s3+s31], $0x80, $0x38;
	[tilespmem:$0x7110] =	vst v63  }
0x32: {  	_ =	swait.ge [sflag:s14], $0x80  }
0x33: {  	[sflag:s14] =	ssyncset.done $0x0  }
0x34: {  	s0 =	sadd.s32 s8, s0;
	[sflag:s14] =	ssyncadd.s32 $0xFFFFFF80  }
0x35: {  	[tilespmem:s21], [sflag:$0x3] =	stream.linear.gather [hbm4b:s0+s31], $0x80, $0x38;
	[tilespmem:$0x7110] =	vst v63  }
0x36: {  	_ =	swait.ge [sflag:s14], $0x80  }
0x37: {  	[sflag:s14] =	ssyncset.done $0x0  }
0x38: {  	[sflag:s14] =	ssyncadd.s32 $0xFFFFFF80  }
0x39: {  	[tilespmem:s22], [sflag:$0x1] =	stream.indirect.gather [hbm4b:s5+s21], $0x10, s31, s21, $0xb8;
	[tilespmem:$0x7110] =	vst v63  }
0x3a: {  	_ = 	snop  }
0x3b: {  	[tilespmem:s23], [sflag:$0x2] =	stream.indirect.gather [hbm4b:s6+s21], $0x10, s21, s21, $0xb8;
	[tilespmem:$0x7110] =	vst v63  }
0x3c: {  	_ =	swait.ge [sflag:s24], $0x800  }
0x3d: {  	[sflag:s24] =	ssyncset.done $0x0  }
0x3e: {  	[sflag:s24] =	ssyncadd.s32 $0xFFFFF800  }
0x3f: {  	_ =	swait.ge [sflag:s26], $0x800  }
0x40: {  	[sflag:s26] =	ssyncset.done $0x0  }
0x41: {  	s3 =	simm.s32 $0x0;
	[sflag:s26] =	ssyncadd.s32 $0xFFFFF800  }
0x42: {  	v6 =	vld [tilespmem:s3+$0x900]  }
0x43: {  	v7 =	vld [tilespmem:s3+$0x100];
	_ =	sdelay $0x4  }
0x44: {  	v6 =	vadd.f32 v6, v7;
	_ =	sdelay $0x1  }
0x45: {  	v8 =	vmul.f32 $2.000000030e-01, v6;
	_ =	sdelay $0x1  }
0x46: {  	v6 =	vmax.f32 v6, v8  }
0x47: {  	v6 =	vmul.f32 v6, v5;
	_ =	sdelay $0x1  }
0x48: {  	v8 =	vperm.xlane v6, v0;
	_ =	sdelay $0x1  }
0x49: {  	v6 =	vadd.f32 v6, v8;
	_ =	sdelay $0x1  }
0x4a: {  	v8 =	vperm.xlane v6, v1;
	_ =	sdelay $0x1  }
0x4b: {  	v6 =	vadd.f32 v6, v8;
	_ =	sdelay $0x1  }
0x4c: {  	v8 =	vperm.xlane v6, v2;
	_ =	sdelay $0x1  }
0x4d: {  	v6 =	vadd.f32 v6, v8;
	_ =	sdelay $0x1  }
0x4e: {  	v8 =	vperm.xlane v6, v3;
	_ =	sdelay $0x1  }
0x4f: {  	v6 =	vadd.f32 v6, v8;
	_ =	sdelay $0x1  }
0x50: {  	v6 =	vmul.f32 $1.442695020e+00, v6;
	_ =	sdelay $0x1  }
0x51: {  	(erf) = vpow2.f32 v6;
	_ =	sdelay $0x8  }
0x52: {  	v6 =	vpop (erf)  }
0x53: {  	v7 =	vmul.f32 v6, v7  }
0x54: {  	s31 =	simm.s32 $0x1110;
	v6 =	vmul.f32 v4, v6  }
0x55: {  	[tilespmem:s31+$0xFFFFFFF0] =	vst v7  }
0x56: {  	s3 =	simm.s32 $0x10;
	[tilespmem:s31+$0x0] =	vst v6  }
0x57: {  	s0 =	simm.s32 $0x80;
	v6 =	vld [tilespmem:s3+$0x900]  }
.LBB2_3:
0x58: {  	p0 =	sne.s32 s0, $0x1FC0;
	v7 =	vld [tilespmem:s3+$0x100];
	_ =	sdelay $0x4  }
0x59: {  	v6 =	vadd.f32 v6, v7;
	_ =	sdelay $0x1  }
0x5a: {  	v8 =	vmul.f32 $2.000000030e-01, v6;
	_ =	sdelay $0x1  }
0x5b: {  	v6 =	vmax.f32 v6, v8  }
0x5c: {  	v6 =	vmul.f32 v6, v5;
	_ =	sdelay $0x1  }
0x5d: {  	v8 =	vperm.xlane v6, v0;
	_ =	sdelay $0x1  }
0x5e: {  	v6 =	vadd.f32 v6, v8;
	_ =	sdelay $0x1  }
0x5f: {  	v8 =	vperm.xlane v6, v1;
	_ =	sdelay $0x1  }
0x60: {  	v6 =	vadd.f32 v6, v8;
	_ =	sdelay $0x1  }
0x61: {  	v8 =	vperm.xlane v6, v2;
	_ =	sdelay $0x1  }
0x62: {  	v6 =	vadd.f32 v6, v8;
	_ =	sdelay $0x1  }
0x63: {  	v8 =	vperm.xlane v6, v3;
	_ =	sdelay $0x1  }
0x64: {  	v6 =	vadd.f32 v6, v8;
	_ =	sdelay $0x1  }
0x65: {  	v6 =	vmul.f32 $1.442695020e+00, v6;
	_ =	sdelay $0x1  }
0x66: {  	(erf) = vpow2.f32 v6;
	_ =	sdelay $0x8  }
0x67: {  	v6 =	vpop (erf)  }
.Ltmp0:
0x68: {  	v7 =	vmul.f32 v6, v7;
	v6 =	vmul.f32 v4, v6;
	(pc) =	sbr.rel @p0 .LBB2_3-.Ltmp0, $4  }
0x69: {  	s31 =	sadd.s32 $0x20, s31  }
0x6a: {  	[tilespmem:s31+$0xFFFFFFF0] =	vst v7  }
0x6b: {  	s3 =	sshra.s32 s0, $0x2;
	[tilespmem:s31+$0x0] =	vst v6  }
0x6c: {  	s0 =	sadd.s32 $0x40, s0;
	v6 =	vld [tilespmem:s3+$0x900]  }
0x6d: {  	v7 =	vld [tilespmem:s3+$0x100];
	_ =	sdelay $0x4  }
0x6e: {  	v6 =	vadd.f32 v6, v7;
	_ =	sdelay $0x1  }
0x6f: {  	v8 =	vmul.f32 $2.000000030e-01, v6;
	_ =	sdelay $0x1  }
0x70: {  	v6 =	vmax.f32 v6, v8  }
0x71: {  	v6 =	vmul.f32 v6, v5;
	_ =	sdelay $0x1  }
0x72: {  	v63 =	vperm.xlane v6, v0;
	_ =	sdelay $0x1  }
0x73: {  	v6 =	vadd.f32 v6, v63;
	_ =	sdelay $0x1  }
0x74: {  	v8 =	vperm.xlane v6, v1;
	_ =	sdelay $0x1  }
0x75: {  	v6 =	vadd.f32 v6, v8;
	_ =	sdelay $0x1  }
0x76: {  	v8 =	vperm.xlane v6, v2;
	_ =	sdelay $0x1  }
0x77: {  	v6 =	vadd.f32 v6, v8;
	_ =	sdelay $0x1  }
0x78: {  	v8 =	vperm.xlane v6, v3;
	_ =	sdelay $0x1  }
0x79: {  	v6 =	vadd.f32 v6, v8;
	_ =	sdelay $0x1  }
0x7a: {  	v6 =	vmul.f32 $1.442695020e+00, v6;
	_ =	sdelay $0x1  }
0x7b: {  	(erf) = vpow2.f32 v6;
	_ =	sdelay $0x8  }
0x7c: {  	v6 =	vpop (erf)  }
0x7d: {  	v7 =	vmul.f32 v6, v7  }
0x7e: {  	s0 =	sadd.s32 $0x20, s31;
	s30 =	sadd.s32 $0x1, s30;
	v6 =	vmul.f32 v4, v6  }
0x7f: {  	p0 =	sne.s32 s30, $0x51;
	[tilespmem:s0+$0xFFFFFFF0] =	vst v7  }
.Ltmp1:
0x80: {  	[tilespmem:s0+$0x0] =	vst v6;
	(pc) =	sbr.rel @p0 .LBB2_2-.Ltmp1, $4  }
0x81: {  	[spmem:s2] =	stream.indirect.scatter.add.f32 [tilespmem:s28], [sflag:$0x3], $0x20, s21, s21, $0xb8;
	[tilespmem:$0x7110] =	vst v63  }
0x82: {  	_ =	swait.ge [sflag:s14], $0x1000  }
0x83: {  	[sflag:s14] =	ssyncset.done $0x0  }
0x84: {  	[sflag:s14] =	ssyncadd.s32 $0xFFFFF000  }
0x85: {  	s29 =	sadd.s32 $0x1, s29  }
0x86: {  	p0 =	sne.s32 s29, s12  }
.Ltmp2:
0x87: {  	[bflag:$0x0] =	sbarrier.arrive $0xFFFF;
	(pc) =	sbr.rel @p0 .LBB2_1-.Ltmp2, $4  }
0x88: {  	[hbm:s11], [sflag:s15] =	dma.local [spmem:s25], $0xA00  }
0x89: {  	_ =	swait.ge [sflag:s14], $0xA00  }
0x8a: {  	[sflag:s14] =	ssyncset.done $0x0  }
0x8b: {  	[sflag:s14] =	ssyncadd.s32 $0xFFFFF600  }
0x8c: {  	_ =	sfence.sel $0x180000  }
0x8d: {  	[bflag:$0x0] =	sbarrier.arrive $0xFFFF  }
0x8e: {  	_ =	strace $0x9000004A  }
0x8f: {  	s0 =	stileid.u32;
	[bflag:$0x2] =	sbarrier.arrive $0xFFFF  }
0x90: {  	p0 =	sne.s32 s0, $0x0;
	s0 =	rddreg [dreg:$0x3]  }
0x91: {  	s0 =	sadd.s32 @!p0 $0x100000, s0  }
0x92: {  	[sflag:s0] =	ssyncadd.tile.s32 @!p0 $0x1;
	_ =	shalt  }
.Lfunc_end2:
_tile_overlayer_lowered:
.L_overlay_start_2:
0x93: {  	(tag) =	ssettag $0x2  }
0x94: {  	s0 =	rddreg [dreg:$0x0];
	s2 =	stileid.u32  }
0x95: {  	s1 =	rddreg [dreg:$0x1];
	p0 =	sne.s32 s2, $0x0  }
0x96: {  	s3 =	rddreg [dreg:$0x2];
	[bflag:$0x3] =	sbarrier.arrive $0xFFFF;
	s2 =	simm.s32 @!p0 $0x1C03  }
0x97: {  	[timem:s3], [sflag:s2] =	dma.local @!p0 [hbm:s0], s1  }
0x98: {  	s0 =	simm.s32 @!p0 $0x3  }
0x99: {  	_ =	swait.ge @!p0 [sflag:s0], s1  }
0x9a: {  	s1 =	ssub.s32 @!p0 $0x0, s1;
	[sflag:s0] =	ssyncset.done @!p0 $0x0  }
0x9b: {  	[sflag:s0] =	ssyncadd.s32 @!p0 s1  }
0x9c: {  	[bflag:$0x3] =	sbarrier.arrive $0xFFFF  }
0x9d: {  	_ =	shalt  }

// kernel: kernel.7.cloned.1.call-start
scs
__scs_entry_jumppad:
0x0: {  	(pc) =	sbr.rel $0x88, $3  }
0x1: {  	(tag) =	ssettag $0x0;
	lr =	simm.s32 $0x1  }
0x2: {  	[smem:$0x3F94] =	sst lr;
	_ =	strace $0xD0000000  }
0x3: {  	_ = 	snop  }
0x4: {  	_ = 	snop  }
0x5: {  	_ = 	snop  }
0x6: {  	_ = 	snop  }
0x7: {  	_ = 	snop  }
__scs_overlays_trampoline_lowered:
0x8: {  	[smem:$0x3FA3] =	sst s0  }
0x9: {  	[smem:$0x3FA4] =	sst s1  }
0xa: {  	[smem:$0x3FA5] =	sst s2  }
0xb: {  	[smem:$0x3FA6] =	sst s3  }
0xc: {  	[smem:$0x3FA7] =	sst s4  }
0xd: {  	[smem:$0x3FA8] =	sst s5  }
0xe: {  	[smem:$0x3FA9] =	sst s6  }
0xf: {  	[smem:$0x3FAA] =	sst s7  }
0x10: {  	[smem:$0x3FAB] =	sst s8  }
0x11: {  	[smem:$0x3FAC] =	sst s9;
	s0 =	simm.s32 @!p0 $0x0  }
0x12: {  	s1 =	sld [smem:$0x3F92];
	s0 =	simm.s32 @p0 $0x1  }
0x13: {  	[smem:$0x3FAD] =	sst s0;
	s0 =	simm.s32 @!p1 $0x0  }
0x14: {  	s2 =	sld [smem:$0x3F91];
	s0 =	simm.s32 @p1 $0x1  }
0x15: {  	[smem:$0x3FAE] =	sst s0;
	s0 =	simm.s32 @!p2 $0x0  }
0x16: {  	s3 =	sld [smem:$0x3FDB];
	s0 =	simm.s32 @p2 $0x1  }
0x17: {  	s4 =	simm.s32 $0x1BF5;
	[smem:$0x3FB0] =	sst s0  }
0x18: {  	s0 =	sld [smem:$0x3F93];
	_ =	swait.ge [sflag:s4], $0x0  }
0x19: {  	s7 =	sld [smem:$0x3F94]  }
0x1a: {  	s8 =	sadd.s32 $0xFFFFE003, lr  }
0x1b: {  	s9 =	sadd.s32 $0xFFFFFEF7, lr;
	s5 =	simm.s32 $0xFFFFFFFF;
	p2 =	slt.u32 s8, $0xFFFFF086  }
0x1c: {  	p1 =	slt.u32 s9, $0xF7A;
	s5 =	simm.s32 @!p2 $0x0  }
0x1d: {  	s5 =	simm.s32 @p1 $0x1;
	p0 =	seq.s32 s7, s2  }
0x1e: {  	s7 =	smul.u32 @!p0 $0xF7A, s2;
	p2 =	seq.s32 @!p0 s5, $0x0  }
0x1f: {  	s9 =	smul.u32 $0xF7A, s1;
	s8 =	simm.s32 @!p0 $0x1BF5;
	p2 =	por !p2, p0  }
0x20: {  	[sflag:s8] =	ssyncset.s32 @!p0 $0xFFFFF086;
	s6 =	sadd.s32 @!p0 s3, s7;
	s7 =	simm.s32 @!p0 $0x108  }
0x21: {  	s3 =	sadd.s32 s3, s9;
	s6 =	sadd.s32 @!p0 $0x88, s6;
	s7 =	simm.s32 @p2 $0x1082  }
0x22: {  	[simem:s7], [sflag:s8] =	dma.local @!p0 [hbm:s6], $0xF7A  }
0x23: {  	s9 =	sor.u32 $0xD0000000, s2;
	s6 =	simm.s32 $0x108;
	_ =	swait.ge @!p0 [sflag:s8], $0x0  }
0x24: {  	s3 =	sadd.s32 $0x88, s3;
	s6 =	simm.s32 @!p1 $0x1082;
	[sflag:s4] =	ssyncset.s32 $0xFFFFF086  }
0x25: {  	[simem:s6], [sflag:s4] =	dma.local [hbm:s3], $0xF7A  }
0x26: {  	[smem:$0x3F94] =	sst s1;
	(tag) =	ssettag s2;
	_ =	strace s9  }
0x27: {  	s1 =	sld [smem:$0x3FA4]  }
0x28: {  	s2 =	sld [smem:$0x3FA5]  }
0x29: {  	s4 =	sld [smem:$0x3FA7]  }
0x2a: {  	p0 =	seq.s32 s5, $0x0;
	s5 =	sld [smem:$0x3FA8]  }
0x2b: {  	s6 =	sld [smem:$0x3FA9]  }
0x2c: {  	s7 =	sld [smem:$0x3FAA]  }
0x2d: {  	s3 =	simm.s32 $0x108;
	s8 =	sld [smem:$0x3FAB]  }
0x2e: {  	s3 =	simm.s32 @!p0 $0x1082;
	s9 =	sld [smem:$0x3FAC]  }
0x2f: {  	lr =	sadd.s32 s0, s3;
	s0 =	sld [smem:$0x3FA3]  }
0x30: {  	s3 =	sld [smem:$0x3FA6]  }
0x31: {  	[smem:$0x3FAF] =	sst s10  }
0x32: {  	s10 =	sld [smem:$0x3FAD];
	_ =	sdelay $0x3  }
0x33: {  	p0 =	seq.s32 s10, $0x1;
	s10 =	sld [smem:$0x3FAF];
	_ =	sdelay $0x3  }
0x34: {  	[smem:$0x3FAF] =	sst s10  }
0x35: {  	s10 =	sld [smem:$0x3FAE];
	_ =	sdelay $0x3  }
0x36: {  	p1 =	seq.s32 s10, $0x1;
	s10 =	sld [smem:$0x3FAF];
	_ =	sdelay $0x3  }
0x37: {  	[smem:$0x3FAF] =	sst s10  }
0x38: {  	s10 =	sld [smem:$0x3FB0]  }
0x39: {  	_ = 	snop;
	(pc) =	sbr.ind lr, $3  }
0x3a: {  	_ = 	snop  }
0x3b: {  	_ = 	snop  }
0x3c: {  	p2 =	seq.s32 s10, $0x1;
	s10 =	sld [smem:$0x3FAF]  }
0x3d: {  	_ =	shalt  }
0x3e: {  	_ =	shalt  }
0x3f: {  	_ =	shalt  }
0x40: {  	_ =	shalt  }
0x41: {  	_ =	shalt  }
0x42: {  	_ =	shalt  }
0x43: {  	_ =	shalt  }
0x44: {  	_ =	shalt  }
0x45: {  	_ =	shalt  }
0x46: {  	_ =	shalt  }
0x47: {  	_ =	shalt  }
0x48: {  	_ =	shalt  }
0x49: {  	_ =	shalt  }
0x4a: {  	_ =	shalt  }
0x4b: {  	_ =	shalt  }
0x4c: {  	_ =	shalt  }
0x4d: {  	_ =	shalt  }
0x4e: {  	_ =	shalt  }
0x4f: {  	_ =	shalt  }
0x50: {  	_ =	shalt  }
0x51: {  	_ =	shalt  }
0x52: {  	_ =	shalt  }
0x53: {  	_ =	shalt  }
0x54: {  	_ =	shalt  }
0x55: {  	_ =	shalt  }
0x56: {  	_ =	shalt  }
0x57: {  	_ =	shalt  }
0x58: {  	_ =	shalt  }
0x59: {  	_ =	shalt  }
0x5a: {  	_ =	shalt  }
0x5b: {  	_ =	shalt  }
0x5c: {  	_ =	shalt  }
0x5d: {  	_ =	shalt  }
0x5e: {  	_ =	shalt  }
0x5f: {  	_ =	shalt  }
0x60: {  	_ =	shalt  }
0x61: {  	_ =	shalt  }
0x62: {  	_ =	shalt  }
0x63: {  	_ =	shalt  }
0x64: {  	_ =	shalt  }
0x65: {  	_ =	shalt  }
0x66: {  	_ =	shalt  }
0x67: {  	_ =	shalt  }
0x68: {  	_ =	shalt  }
0x69: {  	_ =	shalt  }
0x6a: {  	_ =	shalt  }
0x6b: {  	_ =	shalt  }
0x6c: {  	_ =	shalt  }
0x6d: {  	_ =	shalt  }
0x6e: {  	_ =	shalt  }
0x6f: {  	_ =	shalt  }
0x70: {  	_ =	shalt  }
0x71: {  	_ =	shalt  }
0x72: {  	_ =	shalt  }
0x73: {  	_ =	shalt  }
0x74: {  	_ =	shalt  }
0x75: {  	_ =	shalt  }
0x76: {  	_ =	shalt  }
0x77: {  	_ =	shalt  }
0x78: {  	_ =	shalt  }
0x79: {  	_ =	shalt  }
0x7a: {  	_ =	shalt  }
0x7b: {  	_ =	shalt  }
0x7c: {  	_ =	shalt  }
0x7d: {  	_ =	shalt  }
0x7e: {  	_ =	shalt  }
0x7f: {  	_ =	shalt  }
0x80: {  	_ =	shalt  }
0x81: {  	_ =	shalt  }
0x82: {  	_ =	shalt  }
0x83: {  	_ =	shalt  }
0x84: {  	_ =	shalt  }
0x85: {  	_ =	shalt  }
0x86: {  	_ =	shalt  }
0x87: {  	_ =	shalt  }
.Lfunc_end0:
.L_simem_size_0:
called_computation_lowered:
.L_overlay_start_0:
0x88: {  	s2 =	sld [smem:$0x3FD9]  }
0x89: {  	s3 =	sld [smem:$0x3FFE];
	_ =	sdelay $0x1  }
0x8a: {  	s1 =	srdreg.scid  }
0x8b: {  	s0 =	sand.u32 $0x1, s1  }
0x8c: {  	s14 =	sshll.u32 s0, $0xA;
	s2 =	sadd.s32 s3, s2  }
0x8d: {  	s2 =	sadd.s32 s2, s14  }
0x8e: {  	[smem:$0x3FBB] =	sst s2  }
0x8f: {  	_ = 	snop  }
0x90: {  	s2 =	sld [smem:$0x3FD0];
	_ =	sdelay $0x2  }
0x91: {  	s15 =	simm.s32 $0xA;
	s4 =	simm.s32 $0x10  }
0x92: {  	[smem:s4], [sflag:s15] =	dma.local [hbm:s2], $0x1  }
0x93: {  	_ =	swait.eq [sflag:s15], $0x1  }
0x94: {  	[sflag:s15] =	ssyncset.done $0x0  }
0x95: {  	[sflag:s15] =	ssyncadd.s32 $0xFFFFFFFF  }
0x96: {  	s16 =	sld [smem:$0x10];
	(tm) =	ssettm $0x1  }
0x97: {  	s17 =	sld [smem:$0x3FFB];
	_ =	sdelay $0x3  }
0x98: {  	_ =	strace s17  }
0x99: {  	s3 =	sld [smem:$0x3FFC];
	_ =	sdelay $0x3  }
0x9a: {  	_ =	strace s3  }
0x9b: {  	s3 =	sld [smem:$0x3FFD];
	_ =	sdelay $0x3  }
0x9c: {  	_ =	strace s3  }
0x9d: {  	_ =	strace $0x8FFFFFFF  }
0x9e: {  	s18 =	sld [smem:$0x3FDB];
	_ =	sdelay $0x1  }
0x9f: {  	s19 =	simm.s32 $_scs_section_size  }
0xa0: {  	s5 =	simm.s32 $_size__tile_overlayer_lowered;
	s6 =	simm.s32 $_tile_overlayer_lowered  }
0xa1: {  	s22 =	simm.s32 $0x1BFF;
	s21 =	sshll.u32 s6, $0x1;
	s3 =	sadd.s32 s19, s18  }
0xa2: {  	s7 =	simm.s32 $0x0;
	s20 =	sshll.u32 s5, $0x1;
	s5 =	sadd.s32 s21, s3  }
0xa3: {  	[timem:s7], [sflag:s22] =	dma.local [hbm:s5], s20  }
0xa4: {  	_ =	swait.ge [sflag:s22], s20  }
0xa5: {  	s4 =	ssub.s32 $0x0, s20;
	[sflag:s22] =	ssyncset.done $0x0  }
0xa6: {  	[sflag:s22] =	ssyncadd.s32 s4;
	_ =	sdelay $0x1  }
0xa7: {  	s23 =	simm.s32 $0x1B8B  }
0xa8: {  	_ =	swait.ge [sflag:s23], $0x1  }
0xa9: {  	[sflag:s23] =	ssyncset.done $0x0  }
0xaa: {  	s25 =	simm.s32 $0x1B8E;
	s24 =	sld [smem:$0x3FFE];
	[sflag:s23] =	ssyncadd.s32 $0xFFFFFFFF  }
0xab: {  	s26 =	simm.s32 $execute0_lowered;
	[smem:$0x3FD2] =	sst s25  }
0xac: {  	s5 =	sshll.u32 s26, $0x1;
	_ =	strace $0x80000046;
	[dreg:$0x1] =	wrdreg $0xFFFFFFFF  }
0xad: {  	s28 =	simm.s32 $_size_execute0_lowered;
	s3 =	sadd.s32 s3, s5;
	[dreg:$0x0] =	wrdreg $0x0  }
0xae: {  	s5 =	sshll.u32 s28, $0x1;
	[dreg:$0x2] =	wrdreg s3  }
0xaf: {  	[dreg:$0x3] =	wrdreg s5  }
0xb0: {  	[dreg:$0x4] =	wrdreg $0xC0  }
0xb1: {  	_ =	task [dreg:s7], $0x5FFFF  }
0xb2: {  	[dreg:$0x1] =	wrdreg $0xFFFFFFFF  }
0xb3: {  	[dreg:$0x0] =	wrdreg $0x60  }
0xb4: {  	[dreg:$0x2] =	wrdreg s24  }
0xb5: {  	[dreg:$0x3] =	wrdreg s16  }
0xb6: {  	[dreg:$0x4] =	wrdreg $0x69400  }
0xb7: {  	[dreg:$0x5] =	wrdreg $0x9  }
0xb8: {  	_ =	task.clear_ibuf [dreg:s7], $0x6FFFF;
	_ =	strace $0x90000046  }
0xb9: {  	s29 =	simm.s32 $0x9;
	_ =	strace $0x80000048  }
0xba: {  	_ =	swait.ge [sflag:s29], $0x1  }
0xbb: {  	[sflag:s29] =	ssyncadd.s32 $0xFFFFFFFF  }
0xbc: {  	_ =	strace $0x90000048  }
0xbd: {  	_ =	sfence  }
0xbe: {  	s30 =	sld [smem:$0x0];
	_ =	sdelay $0x2  }
0xbf: {  	s31 =	sshll.u32 s1, $0xD;
	s1 =	sshrl.u32 s1, $0x2  }
0xc0: {  	s3 =	sand.u32 $0x4000, s31;
	s1 =	sadd.s32 s1, s30  }
0xc1: {  	s0 =	sor.u32 s3, s0;
	s1 =	sshll.u32 s1, $0x11  }
0xc2: {  	s0 =	sor.u32 s1, s0  }
0xc3: {  	s0 =	sadd.s32 $0x8F2B, s0  }
0xc4: {  	[sflag:s0] =	ssyncadd.remote.s32 $0x1  }
0xc5: {  	_ =	sfence.sel $0xFFFF  }
0xc6: {  	[dreg:$0x0] =	wrdreg $0xFFFFFFFF;
	(pc) =	sbr.abs _section_cstart, $3  }
0xc7: {  	[dreg:$0x1] =	wrdreg $0xFFFFFFFF  }
0xc8: {  	_ =	task.clear_ibuf [dreg:s7], $0x2FFFF;
	_ =	strace $0x9FFFFFFF  }
0xc9: {  	(tm) =	ssettm $0x7FFFFFFF  }
tec
execute0_lowered:
.L_overlay_start_1:
0x0: {  	(tag) =	ssettag $0x1  }
0x1: {  	s0 =	rddreg [dreg:$0x0]  }
0x2: {  	s2 =	rddreg [dreg:$0x2];
	s1 =	srdreg.scid  }
0x3: {  	s4 =	simm.s32 $0x0;
	s15 =	stileid.u32;
	s21 =	simm.s32 $0x80  }
0x4: {  	s22 =	simm.s32 $0x100;
	s23 =	simm.s32 $0x2100;
	s24 =	simm.s32 $0x1  }
0x5: {  	v0 =	vimm.s32 $0xEFCDAB89;
	s28 =	simm.s32 $0x4100;
	s29 =	simm.s32 $0x0;
	s1 =	sand.u32 $0x1, s1  }
0x6: {  	v1 =	vimm.s32 $0x67452301;
	[smem:$0x7FF] =	sst s4;
	s12 =	smul.u32 $0xC800, s15;
	s5 =	sadd.s32 $0x29200, s0  }
0x7: {  	v2 =	vimm.s32 $0xDCFE98BA;
	s6 =	sadd.s32 $0x15800, s0;
	s7 =	sadd.s32 $0xB600, s0;
	s8 =	sadd.s32 $0x1400, s0  }
0x8: {  	v3 =	vimm.s32 $0x54761032;
	v0 =	vunpack.c.l.s4.s8 v0;
	s9 =	sadd.s32 $0x3CC00, s0;
	v1 =	vunpack.c.l.s4.s8 v1;
	s13 =	sshll.u32 s15, $0x1;
	s14 =	smul.u32 $0x32000, s15  }
0x9: {  	v4 =	vimm.s32 $0xBA98FEDC;
	v2 =	vunpack.c.l.s4.s8 v2;
	v3 =	vunpack.c.l.s4.s8 v3;
	s15 =	sshll.u32 s15, $0x6;
	s3 =	smul.u32 $0xC8000, s1;
	_ =	strace $0x80000047  }
0xa: {  	v5 =	vimm.s32 $0x32107654;
	s10 =	ssub.s32 $0x2, s1;
	s1 =	sor.u32 s1, s13;
	s13 =	simm.s32 $0x6900;
	v0 =	vunpack.c.0.s8.s32 v0;
	v1 =	vunpack.c.0.s8.s32 v1  }
0xb: {  	vm0 =	vcmask $0x700;
	s15 =	sor.u32 $0x1C03, s15;
	s11 =	sshrl.u32 s10, $0x1;
	v2 =	vunpack.c.0.s8.s32 v2;
	s26 =	sshrl.u32 s14, $0x2;
	v3 =	vunpack.c.0.s8.s32 v3  }
0xc: {  	s30 =	sadd.s32 s12, s2;
	s14 =	simm.s32 $0x3;
	s3 =	sadd.s32 s12, s3;
	v0 =	vcombine.low v1, v0;
	v1 =	vunpack.c.l.s4.s8 v4;
	v4 =	vunpack.c.l.s4.s8 v5  }
0xd: {  	v7 =	vimm.f32 $0.0e+00;
	vm13 =	vcmask $0xF08;
	s25 =	ssub.s32 s10, s11;
	s10 =	smul.u32 $0x2880, s1;
	s3 =	sshrl.u32 s3, $0x3;
	v2 =	vcombine.low v3, v2  }
0xe: {  	vm14 =	vcmask $0x1710;
	s12 =	smax.u32 s25, $0x1;
	s25 =	sshrl.u32 s30, $0x3;
	s0 =	sadd.s32 s3, s0;
	v3 =	vunpack.c.0.s8.s32 v1;
	v4 =	vunpack.c.0.s8.s32 v4  }
0xf: {  	vm15 =	vcmask $0x1F18;
	s11 =	sadd.s32 $0x3D200, s0;
	s0 =	sadd.s32 s26, s2;
	v0 =	vand.u32 $0xF, v0;
	v1 =	vand.u32 $0xF, v2;
	s26 =	simm.s32 $0x2  }
0x10: {  	v2 =	vsel vm0, $0x3F800000, v7;
	s31 =	sadd.s32 $0x2800, s0;
	s18 =	sadd.s32 $0x5000, s0;
	s19 =	sadd.s32 $0x7800, s0;
	v5 =	vcombine.low v4, v3;
	v4 =	vlaneseq.u32  }
0x11: {  	s20 =	sadd.s32 $0xA000, s0;
	s16 =	sshrl.u32 s0, $0x3;
	s17 =	sshrl.u32 s31, $0x3;
	v3 =	vsel vm13, $0x3F800000, v7;
	v6 =	vand.u32 $0x1, v4;
	v4 =	vsel vm14, $0x3F800000, v7  }
0x12: {  	s18 =	sshrl.u32 s18, $0x3;
	s19 =	sshrl.u32 s19, $0x3;
	s20 =	sshrl.u32 s20, $0x3;
	v7 =	vsel vm15, $0x3F800000, v7;
	v5 =	vand.u32 $0xF, v5;
	v6 =	vmul.u32 $0x8, v6  }
.LBB2_1:
0x13: {  	s0 =	rddreg [dreg:$0x1]  }
0x14: {  	[tilespmem:s13], [sflag:$0x3] =	stream.linear.gather [hbm4b:s0+s4], $0x40, $0x38;
	[tilespmem:$0x13140] =	vst v63  }
0x15: {  	_ =	swait.ge [sflag:s14], $0x40  }
0x16: {  	[sflag:s14] =	ssyncset.done $0x0  }
0x17: {  	[sflag:s14] =	ssyncadd.s32 $0xFFFFFFC0  }
0x18: {  	v8 =	vld [tilespmem:$0x6900]  }
0x19: {  	v9 =	vld [tilespmem:$0x6910]  }
0x1a: {  	v10 =	vld [tilespmem:$0x6920]  }
0x1b: {  	v11 =	vld [tilespmem:$0x6930];
	[spmem:s16], [sflag:s15] =	dma.local [hbm:s9], $0x500  }
0x1c: {  	_ =	swait.ge [sflag:s14], $0x500  }
0x1d: {  	[sflag:s14] =	ssyncset.done $0x0  }
0x1e: {  	[sflag:s14] =	ssyncadd.s32 $0xFFFFFB00  }
0x1f: {  	[spmem:s17], [sflag:s15] =	dma.local [hbm:s9], $0x500  }
0x20: {  	_ =	swait.ge [sflag:s14], $0x500  }
0x21: {  	[sflag:s14] =	ssyncset.done $0x0  }
0x22: {  	[sflag:s14] =	ssyncadd.s32 $0xFFFFFB00  }
0x23: {  	[spmem:s18], [sflag:s15] =	dma.local [hbm:s9], $0x500  }
0x24: {  	_ =	swait.ge [sflag:s14], $0x500  }
0x25: {  	[sflag:s14] =	ssyncset.done $0x0  }
0x26: {  	[sflag:s14] =	ssyncadd.s32 $0xFFFFFB00  }
0x27: {  	[spmem:s19], [sflag:s15] =	dma.local [hbm:s9], $0x500  }
0x28: {  	_ =	swait.ge [sflag:s14], $0x500  }
0x29: {  	[sflag:s14] =	ssyncset.done $0x0  }
0x2a: {  	[sflag:s14] =	ssyncadd.s32 $0xFFFFFB00  }
0x2b: {  	[spmem:s20], [sflag:s15] =	dma.local [hbm:s9], $0x500  }
0x2c: {  	_ =	swait.ge [sflag:s14], $0x500  }
0x2d: {  	[sflag:s14] =	ssyncset.done $0x0  }
0x2e: {  	[sflag:s14] =	ssyncadd.s32 $0xFFFFFB00  }
0x2f: {  	s30 =	simm.s32 $0x0;
	[bflag:$0x0] =	sbarrier.arrive $0xFFFF  }
.LBB2_2:
0x30: {  	s0 =	sshll.u32 s30, $0x7  }
0x31: {  	s0 =	sadd.s32 s10, s0  }
0x32: {  	s0 =	sshrl.u32 s0, $0x3  }
0x33: {  	s3 =	simm.s32 $0x0;
	s1 =	sadd.s32 s7, s0  }
0x34: {  	[tilespmem:s3], [sflag:$0x3] =	stream.linear.gather [hbm4b:s1+s3], $0x80, $0x38;
	[tilespmem:$0x13140] =	vst v63  }
0x35: {  	_ =	swait.ge [sflag:s14], $0x80  }
0x36: {  	[sflag:s14] =	ssyncset.done $0x0  }
0x37: {  	s0 =	sadd.s32 s8, s0;
	[sflag:s14] =	ssyncadd.s32 $0xFFFFFF80  }
0x38: {  	[tilespmem:s21], [sflag:$0x3] =	stream.linear.gather [hbm4b:s0+s3], $0x80, $0x38;
	[tilespmem:$0x13140] =	vst v63  }
0x39: {  	_ =	swait.ge [sflag:s14], $0x80  }
0x3a: {  	[sflag:s14] =	ssyncset.done $0x0  }
0x3b: {  	[sflag:s14] =	ssyncadd.s32 $0xFFFFFF80  }
0x3c: {  	[tilespmem:s22], [sflag:$0x1] =	stream.indirect.gather [hbm4b:s5+s21], $0x40, s3, s21, $0xb8;
	[tilespmem:$0x13140] =	vst v63  }
0x3d: {  	_ = 	snop  }
0x3e: {  	[tilespmem:s23], [sflag:$0x2] =	stream.indirect.gather [hbm4b:s6+s21], $0x40, s21, s21, $0xb8;
	[tilespmem:$0x13140] =	vst v63  }
0x3f: {  	_ =	swait.ge [sflag:s24], $0x2000  }
0x40: {  	[sflag:s24] =	ssyncset.done $0x0  }
0x41: {  	[sflag:s24] =	ssyncadd.s32 $0xFFFFE000  }
0x42: {  	_ =	swait.ge [sflag:s26], $0x2000  }
0x43: {  	[sflag:s26] =	ssyncset.done $0x0  }
0x44: {  	s3 =	simm.s32 $0x0;
	[sflag:s26] =	ssyncadd.s32 $0xFFFFE000  }
0x45: {  	v12 =	vld [tilespmem:s3+$0x100]  }
0x46: {  	v13 =	vld [tilespmem:s3+$0x2100];
	_ =	sdelay $0x4  }
0x47: {  	v13 =	vadd.f32 v13, v12;
	_ =	sdelay $0x1  }
0x48: {  	v14 =	vmul.f32 $2.000000030e-01, v13;
	_ =	sdelay $0x1  }
0x49: {  	v13 =	vmax.f32 v13, v14  }
0x4a: {  	v13 =	vmul.f32 v13, v8;
	_ =	sdelay $0x1  }
0x4b: {  	v14 =	vperm.xlane v13, v0;
	_ =	sdelay $0x1  }
0x4c: {  	v13 =	vadd.f32 v13, v14;
	_ =	sdelay $0x1  }
0x4d: {  	v14 =	vperm.xlane v13, v1;
	_ =	sdelay $0x1  }
0x4e: {  	v13 =	vadd.f32 v13, v14;
	_ =	sdelay $0x1  }
0x4f: {  	v14 =	vperm.xlane v13, v5;
	_ =	sdelay $0x1  }
0x50: {  	v13 =	vadd.f32 v13, v14;
	_ =	sdelay $0x1  }
0x51: {  	v13 =	vmul.f32 $1.442695020e+00, v13;
	_ =	sdelay $0x1  }
0x52: {  	(erf) = vpow2.f32 v13;
	_ =	sdelay $0x8  }
0x53: {  	v13 =	vpop (erf)  }
0x54: {  	v12 =	vmul.f32 v13, v12  }
0x55: {  	s31 =	simm.s32 $0x4120  }
0x56: {  	[tilespmem:s31+$0xFFFFFFE0] =	vst v12  }
0x57: {  	v12 =	vld [tilespmem:s3+$0x110]  }
0x58: {  	v14 =	vld [tilespmem:s3+$0x2110];
	_ =	sdelay $0x4  }
0x59: {  	v14 =	vadd.f32 v14, v12;
	_ =	sdelay $0x1  }
0x5a: {  	v15 =	vmul.f32 $2.000000030e-01, v14;
	_ =	sdelay $0x1  }
0x5b: {  	v14 =	vmax.f32 v14, v15  }
0x5c: {  	v14 =	vmul.f32 v14, v9;
	_ =	sdelay $0x1  }
0x5d: {  	v15 =	vperm.xlane v14, v0;
	_ =	sdelay $0x1  }
0x5e: {  	v14 =	vadd.f32 v14, v15;
	_ =	sdelay $0x1  }
0x5f: {  	v15 =	vperm.xlane v14, v1;
	_ =	sdelay $0x1  }
0x60: {  	v14 =	vadd.f32 v14, v15;
	_ =	sdelay $0x1  }
0x61: {  	v15 =	vperm.xlane v14, v5;
	_ =	sdelay $0x1  }
0x62: {  	v14 =	vadd.f32 v14, v15;
	_ =	sdelay $0x1  }
0x63: {  	v14 =	vmul.f32 $1.442695020e+00, v14;
	_ =	sdelay $0x1  }
0x64: {  	(erf) = vpow2.f32 v14;
	_ =	sdelay $0x8  }
0x65: {  	v14 =	vpop (erf)  }
0x66: {  	v12 =	vmul.f32 v14, v12;
	_ =	sdelay $0x1  }
0x67: {  	[tilespmem:s31+$0xFFFFFFF0] =	vst v12  }
0x68: {  	v12 =	vld [tilespmem:s3+$0x120]  }
0x69: {  	v15 =	vld [tilespmem:s3+$0x2120];
	_ =	sdelay $0x4  }
0x6a: {  	v15 =	vadd.f32 v15, v12;
	_ =	sdelay $0x1  }
0x6b: {  	v16 =	vmul.f32 $2.000000030e-01, v15;
	_ =	sdelay $0x1  }
0x6c: {  	v15 =	vmax.f32 v15, v16  }
0x6d: {  	v15 =	vmul.f32 v15, v10;
	_ =	sdelay $0x1  }
0x6e: {  	v61 =	vperm.xlane v15, v0;
	_ =	sdelay $0x1  }
0x6f: {  	v15 =	vadd.f32 v15, v61;
	_ =	sdelay $0x1  }
0x70: {  	v16 =	vperm.xlane v15, v1;
	_ =	sdelay $0x1  }
0x71: {  	v15 =	vadd.f32 v15, v16;
	_ =	sdelay $0x1  }
0x72: {  	v16 =	vperm.xlane v15, v5;
	_ =	sdelay $0x1  }
0x73: {  	v15 =	vadd.f32 v15, v16;
	_ =	sdelay $0x1  }
0x74: {  	v15 =	vmul.f32 $1.442695020e+00, v15;
	_ =	sdelay $0x1  }
0x75: {  	(erf) = vpow2.f32 v15;
	_ =	sdelay $0x8  }
0x76: {  	v15 =	vpop (erf)  }
0x77: {  	v12 =	vmul.f32 v15, v12;
	_ =	sdelay $0x1  }
0x78: {  	[tilespmem:s31+$0x0] =	vst v12  }
0x79: {  	v62 =	vld [tilespmem:s3+$0x130]  }
0x7a: {  	v12 =	vld [tilespmem:s3+$0x2130];
	_ =	sdelay $0x4  }
0x7b: {  	v12 =	vadd.f32 v12, v62;
	_ =	sdelay $0x1  }
0x7c: {  	v17 =	vmul.f32 $2.000000030e-01, v12;
	_ =	sdelay $0x1  }
0x7d: {  	v12 =	vmax.f32 v12, v17  }
0x7e: {  	v12 =	vmul.f32 v12, v11;
	_ =	sdelay $0x1  }
0x7f: {  	v63 =	vperm.xlane v12, v0;
	_ =	sdelay $0x1  }
0x80: {  	v12 =	vadd.f32 v12, v63;
	_ =	sdelay $0x1  }
0x81: {  	v17 =	vperm.xlane v12, v1;
	_ =	sdelay $0x1  }
0x82: {  	v12 =	vadd.f32 v12, v17;
	_ =	sdelay $0x1  }
0x83: {  	v17 =	vperm.xlane v12, v5;
	_ =	sdelay $0x1  }
0x84: {  	v12 =	vadd.f32 v12, v17;
	_ =	sdelay $0x1  }
0x85: {  	v12 =	vmul.f32 $1.442695020e+00, v12;
	_ =	sdelay $0x1  }
0x86: {  	(erf) = vpow2.f32 v12;
	_ =	sdelay $0x1  }
0x87: {  	v12 =	vperm.xlane v13, v6;
	_ =	sdelay $0x1  }
0x88: {  	v13 =	vperm.xlane v14, v6;
	v12 =	vmul.f32 v2, v12;
	_ =	sdelay $0x1  }
0x89: {  	v14 =	vperm.xlane v15, v6;
	v13 =	vmul.f32 v3, v13;
	v12 =	vadd.f32 $0.0e+00, v12;
	_ =	sdelay $0x1  }
0x8a: {  	v14 =	vmul.f32 v4, v14;
	v12 =	vadd.f32 v13, v12  }
0x8b: {  	v15 =	vpop (erf)  }
0x8c: {  	s0 =	simm.s32 $0x100;
	s3 =	simm.s32 $0x4120;
	v12 =	vadd.f32 v14, v12;
	v13 =	vmul.f32 v15, v62;
	v14 =	vperm.xlane v15, v6  }
.LBB2_3:
0x8d: {  	p0 =	sne.s32 s0, $0x7F00  }
0x8e: {  	s3 =	sadd.s32 $0x50, s3;
	s1 =	smov.u32 s0;
	s0 =	sadd.s32 $0x100, s0;
	[tilespmem:s31+$0x10] =	vst v13;
	v13 =	vmul.f32 v7, v14  }
0x8f: {  	_ = 	snop  }
0x90: {  	v12 =	vadd.f32 v13, v12;
	_ =	sdelay $0x1  }
0x91: {  	s1 =	sshra.s32 s1, $0x2;
	[tilespmem:s31+$0x20] =	vst v12;
	s31 =	smov.u32 s3  }
0x92: {  	v12 =	vld [tilespmem:s1+$0x100]  }
0x93: {  	v13 =	vld [tilespmem:s1+$0x2100];
	_ =	sdelay $0x4  }
0x94: {  	v13 =	vadd.f32 v13, v12;
	_ =	sdelay $0x1  }
0x95: {  	v14 =	vmul.f32 $2.000000030e-01, v13;
	_ =	sdelay $0x1  }
0x96: {  	v13 =	vmax.f32 v13, v14  }
0x97: {  	v13 =	vmul.f32 v13, v8;
	_ =	sdelay $0x1  }
0x98: {  	v14 =	vperm.xlane v13, v0;
	_ =	sdelay $0x1  }
0x99: {  	v13 =	vadd.f32 v13, v14;
	_ =	sdelay $0x1  }
0x9a: {  	v14 =	vperm.xlane v13, v1;
	_ =	sdelay $0x1  }
0x9b: {  	v13 =	vadd.f32 v13, v14;
	_ =	sdelay $0x1  }
0x9c: {  	v14 =	vperm.xlane v13, v5;
	_ =	sdelay $0x1  }
0x9d: {  	v13 =	vadd.f32 v13, v14;
	_ =	sdelay $0x1  }
0x9e: {  	v13 =	vmul.f32 $1.442695020e+00, v13;
	_ =	sdelay $0x1  }
0x9f: {  	(erf) = vpow2.f32 v13;
	_ =	sdelay $0x8  }
0xa0: {  	v13 =	vpop (erf)  }
0xa1: {  	v12 =	vmul.f32 v13, v12;
	v13 =	vperm.xlane v13, v6;
	_ =	sdelay $0x1  }
0xa2: {  	[tilespmem:s3+$0xFFFFFFE0] =	vst v12;
	v12 =	vmul.f32 v2, v13  }
0xa3: {  	v13 =	vld [tilespmem:s1+$0x110]  }
0xa4: {  	v14 =	vld [tilespmem:s1+$0x2110];
	_ =	sdelay $0x4  }
0xa5: {  	v14 =	vadd.f32 v14, v13;
	_ =	sdelay $0x1  }
0xa6: {  	v15 =	vmul.f32 $2.000000030e-01, v14;
	_ =	sdelay $0x1  }
0xa7: {  	v14 =	vmax.f32 v14, v15  }
0xa8: {  	v14 =	vmul.f32 v14, v9;
	_ =	sdelay $0x1  }
0xa9: {  	v15 =	vperm.xlane v14, v0;
	_ =	sdelay $0x1  }
0xaa: {  	v14 =	vadd.f32 v14, v15;
	_ =	sdelay $0x1  }
0xab: {  	v15 =	vperm.xlane v14, v1;
	_ =	sdelay $0x1  }
0xac: {  	v14 =	vadd.f32 v14, v15;
	_ =	sdelay $0x1  }
0xad: {  	v15 =	vperm.xlane v14, v5;
	_ =	sdelay $0x1  }
0xae: {  	v14 =	vadd.f32 v14, v15;
	_ =	sdelay $0x1  }
0xaf: {  	v14 =	vmul.f32 $1.442695020e+00, v14;
	_ =	sdelay $0x1  }
0xb0: {  	(erf) = vpow2.f32 v14;
	_ =	sdelay $0x8  }
0xb1: {  	v14 =	vpop (erf)  }
0xb2: {  	v13 =	vmul.f32 v14, v13;
	v14 =	vperm.xlane v14, v6;
	_ =	sdelay $0x1  }
0xb3: {  	[tilespmem:s3+$0xFFFFFFF0] =	vst v13;
	v13 =	vmul.f32 v3, v14  }
0xb4: {  	v14 =	vld [tilespmem:s1+$0x120]  }
0xb5: {  	v15 =	vld [tilespmem:s1+$0x2120];
	_ =	sdelay $0x4  }
0xb6: {  	v15 =	vadd.f32 v15, v14;
	_ =	sdelay $0x1  }
0xb7: {  	v16 =	vmul.f32 $2.000000030e-01, v15;
	_ =	sdelay $0x1  }
0xb8: {  	v15 =	vmax.f32 v15, v16  }
0xb9: {  	v15 =	vmul.f32 v15, v10;
	_ =	sdelay $0x1  }
0xba: {  	v16 =	vperm.xlane v15, v0;
	_ =	sdelay $0x1  }
0xbb: {  	v15 =	vadd.f32 v15, v16;
	_ =	sdelay $0x1  }
0xbc: {  	v16 =	vperm.xlane v15, v1;
	_ =	sdelay $0x1  }
0xbd: {  	v15 =	vadd.f32 v15, v16;
	_ =	sdelay $0x1  }
0xbe: {  	v16 =	vperm.xlane v15, v5;
	_ =	sdelay $0x1  }
0xbf: {  	v15 =	vadd.f32 v15, v16;
	_ =	sdelay $0x1  }
0xc0: {  	v15 =	vmul.f32 $1.442695020e+00, v15;
	_ =	sdelay $0x1  }
0xc1: {  	(erf) = vpow2.f32 v15;
	_ =	sdelay $0x8  }
0xc2: {  	v15 =	vpop (erf)  }
0xc3: {  	v14 =	vmul.f32 v15, v14;
	v15 =	vperm.xlane v15, v6;
	_ =	sdelay $0x1  }
0xc4: {  	[tilespmem:s3+$0x0] =	vst v14;
	v14 =	vmul.f32 v4, v15  }
0xc5: {  	v15 =	vld [tilespmem:s1+$0x130]  }
0xc6: {  	v16 =	vld [tilespmem:s1+$0x2130];
	_ =	sdelay $0x4  }
0xc7: {  	v16 =	vadd.f32 v16, v15;
	_ =	sdelay $0x1  }
0xc8: {  	v17 =	vmul.f32 $2.000000030e-01, v16;
	_ =	sdelay $0x1  }
0xc9: {  	v16 =	vmax.f32 v16, v17  }
0xca: {  	v16 =	vmul.f32 v16, v11;
	_ =	sdelay $0x1  }
0xcb: {  	v17 =	vperm.xlane v16, v0;
	_ =	sdelay $0x1  }
0xcc: {  	v16 =	vadd.f32 v16, v17;
	_ =	sdelay $0x1  }
0xcd: {  	v17 =	vperm.xlane v16, v1;
	_ =	sdelay $0x1  }
0xce: {  	v16 =	vadd.f32 v16, v17;
	_ =	sdelay $0x1  }
0xcf: {  	v17 =	vperm.xlane v16, v5;
	_ =	sdelay $0x1  }
0xd0: {  	v16 =	vadd.f32 v16, v17;
	_ =	sdelay $0x1  }
0xd1: {  	v16 =	vmul.f32 $1.442695020e+00, v16;
	_ =	sdelay $0x1  }
0xd2: {  	(erf) = vpow2.f32 v16;
	_ =	sdelay $0x3  }
0xd3: {  	v12 =	vadd.f32 $0.0e+00, v12;
	_ =	sdelay $0x1  }
.Ltmp0:
0xd4: {  	v12 =	vadd.f32 v13, v12;
	(pc) =	sbr.rel @p0 .LBB2_3-.Ltmp0, $4  }
0xd5: {  	_ = 	snop  }
0xd6: {  	v12 =	vadd.f32 v14, v12  }
0xd7: {  	v14 =	vpop (erf)  }
0xd8: {  	v13 =	vmul.f32 v14, v15;
	v14 =	vperm.xlane v14, v6  }
0xd9: {  	_ = 	snop  }
0xda: {  	v14 =	vmul.f32 v7, v14;
	_ =	sdelay $0x1  }
0xdb: {  	s30 =	sadd.s32 $0x1, s30;
	v12 =	vadd.f32 v14, v12  }
0xdc: {  	[tilespmem:s31+$0x10] =	vst v13;
	p0 =	sne.s32 s30, $0x51  }
.Ltmp1:
0xdd: {  	[tilespmem:s31+$0x20] =	vst v12;
	(pc) =	sbr.rel @p0 .LBB2_2-.Ltmp1, $4  }
0xde: {  	[spmem:s2] =	stream.indirect.scatter.add.f32 [tilespmem:s28], [sflag:$0x3], $0x50, s21, s21, $0xb8;
	[tilespmem:$0x13140] =	vst v63  }
0xdf: {  	_ =	swait.ge [sflag:s14], $0x2800  }
0xe0: {  	[sflag:s14] =	ssyncset.done $0x0  }
0xe1: {  	[sflag:s14] =	ssyncadd.s32 $0xFFFFD800  }
0xe2: {  	s29 =	sadd.s32 $0x1, s29  }
0xe3: {  	p0 =	sne.s32 s29, s12  }
.Ltmp2:
0xe4: {  	[bflag:$0x0] =	sbarrier.arrive $0xFFFF;
	(pc) =	sbr.rel @p0 .LBB2_1-.Ltmp2, $4  }
0xe5: {  	[hbm:s11], [sflag:s15] =	dma.local [spmem:s25], $0x1900  }
0xe6: {  	_ =	swait.ge [sflag:s14], $0x1900  }
0xe7: {  	[sflag:s14] =	ssyncset.done $0x0  }
0xe8: {  	[sflag:s14] =	ssyncadd.s32 $0xFFFFE700  }
0xe9: {  	_ =	sfence.sel $0x180000  }
0xea: {  	[bflag:$0x0] =	sbarrier.arrive $0xFFFF  }
0xeb: {  	_ =	strace $0x90000047  }
0xec: {  	s0 =	stileid.u32;
	[bflag:$0x2] =	sbarrier.arrive $0xFFFF  }
0xed: {  	p0 =	sne.s32 s0, $0x0;
	s0 =	rddreg [dreg:$0x3]  }
0xee: {  	s0 =	sadd.s32 @!p0 $0x100000, s0  }
0xef: {  	[sflag:s0] =	ssyncadd.tile.s32 @!p0 $0x1;
	_ =	shalt  }
.Lfunc_end2:
_tile_overlayer_lowered:
.L_overlay_start_2:
0xf0: {  	(tag) =	ssettag $0x2  }
0xf1: {  	s0 =	rddreg [dreg:$0x0];
	s2 =	stileid.u32  }
0xf2: {  	s1 =	rddreg [dreg:$0x1];
	p0 =	sne.s32 s2, $0x0  }
0xf3: {  	s3 =	rddreg [dreg:$0x2];
	[bflag:$0x3] =	sbarrier.arrive $0xFFFF;
	s2 =	simm.s32 @!p0 $0x1C03  }
0xf4: {  	[timem:s3], [sflag:s2] =	dma.local @!p0 [hbm:s0], s1  }
0xf5: {  	s0 =	simm.s32 @!p0 $0x3  }
0xf6: {  	_ =	swait.ge @!p0 [sflag:s0], s1  }
0xf7: {  	s1 =	ssub.s32 @!p0 $0x0, s1;
	[sflag:s0] =	ssyncset.done @!p0 $0x0  }
0xf8: {  	[sflag:s0] =	ssyncadd.s32 @!p0 s1  }
0xf9: {  	[bflag:$0x3] =	sbarrier.arrive $0xFFFF  }
0xfa: {  	_ =	shalt  }

</sc_bundles>
